<compile_context>
chip_gen: v7x
topology: tpu7x:2x2x1
jax: 0.10.2.dev20260603
libtpu: 0.0.44.dev20260713+nightly
codegen_flags: <defaults>
</compile_context>

<pallas_src>
import jax
import jax.numpy as jnp
import numpy as np
from jax import lax
from jax.experimental import pallas as pl
from jax.experimental.pallas import tpu as pltpu
from jax.experimental.pallas import tpu_sc as plsc

B = 8
N = 4096
S = 512
K = 32
L = 16
NC = 2
NS = 16
NW = NC * NS
QPW = (B * S) // NW
QBLK = S // QPW
CHUNKS = N // L
UNROLL = 4
G = 2
RSQ = np.float32(0.2 * 0.2)


def _ball_query_body(posx_hbm, cents_hbm, out_hbm,
                     x_v, y_v, z_v, pp_v, cid_v,
                     cxs_v, cys_v, czs_v, ccs_v, nbr0_v, nbr1_v, nbr2_v, nbr3_v, outb_v):
    cid = lax.axis_index("c")
    sid = lax.axis_index("s")
    wid = sid * NC + cid
    b = wid // QBLK
    qbase = (wid % QBLK) * QPW

    pltpu.sync_copy(posx_hbm.at[pl.ds((b * 3 + 0) * N, N)], x_v.at[pl.ds(0, N)])
    pltpu.sync_copy(posx_hbm.at[pl.ds((b * 3 + 1) * N, N)], y_v.at[pl.ds(0, N)])
    pltpu.sync_copy(posx_hbm.at[pl.ds((b * 3 + 2) * N, N)], z_v.at[pl.ds(0, N)])
    pltpu.sync_copy(cents_hbm.at[pl.ds(b * S + qbase, QPW)], cid_v)

    def bf16r(v):
        bi = lax.bitcast_convert_type(v, jnp.int32)
        r = bi + jnp.int32(0x7FFF) + ((bi >> 16) & 1)
        return lax.bitcast_convert_type(r & jnp.int32(-65536), jnp.float32)

    def center_step(i, _):
        s = pl.ds(i * L, L)
        idxv = cid_v[s]
        cxv = plsc.load_gather(x_v, [idxv])
        cyv = plsc.load_gather(y_v, [idxv])
        czv = plsc.load_gather(z_v, [idxv])
        ccs_v[s] = (cxv * cxv + cyv * cyv) + czv * czv
        n2 = np.float32(-2.0)
        cxs_v[s] = bf16r(cxv) * n2
        cys_v[s] = bf16r(cyv) * n2
        czs_v[s] = bf16r(czv) * n2
        return 0

    lax.fori_loop(0, QPW // L, center_step, 0)

    def pp_step(i, _):
        s = pl.ds(i * L, L)
        xv = x_v[s]
        yv = y_v[s]
        zv = z_v[s]
        pp_v[s] = (xv * xv + yv * yv) + zv * zv
        x_v[s] = bf16r(xv)
        y_v[s] = bf16r(yv)
        z_v[s] = bf16r(zv)
        return 0

    lax.fori_loop(0, CHUNKS, pp_step, 0)

    lanes = lax.broadcasted_iota(jnp.int32, (L,), 0)
    nbrs = [nbr0_v, nbr1_v, nbr2_v, nbr3_v][:G]

    def one_group(i, _):
        qs = [i + g * (QPW // G) for g in range(G)]
        cxs = [cxs_v[pl.ds(q, L)][0] for q in qs]
        cys = [cys_v[pl.ds(q, L)][0] for q in qs]
        czs = [czs_v[pl.ds(q, L)][0] for q in qs]
        ccs = [ccs_v[pl.ds(q, L)][0] for q in qs]

        def load_chunks(base):
            vecs = []
            for u in range(UNROLL):
                s = pl.ds(base + u * L, L)
                vecs.extend((x_v[s], y_v[s], z_v[s], pp_v[s]))
            return tuple(vecs)

        def compute_ds(vecs):
            ds = []
            for u in range(UNROLL):
                xu, yu, zu, pu = vecs[4 * u:4 * u + 4]
                for g in range(G):
                    t = (cxs[g] * xu + cys[g] * yu) + czs[g] * zu
                    ds.append((t + ccs[g]) + pu)
            return ds

        def store_ds(ds, base, cnts):
            ms = [[ds[u * G + g] <= RSQ for u in range(UNROLL)]
                  for g in range(G)]
            idxs = [lanes + (base + u * L) for u in range(UNROLL)]
            cs = [[plsc.all_reduce_population_count(m)[0] for m in ms[g]]
                  for g in range(G)]
            cnts = list(cnts)
            for g in range(G):
                for u in range(UNROLL):
                    plsc.store_compressed(nbrs[g].at[pl.ds(cnts[g], L)],
                                          idxs[u], mask=ms[g][u])
                    cnts[g] = cnts[g] + cs[g][u]
            return cnts

        NV = 4 * UNROLL
        ND = G * UNROLL

        def cond(carry):
            chunk = carry[0]
            unfinished = carry[1] < K
            for g in range(2, G + 1):
                unfinished = jnp.logical_or(unfinished, carry[g] < K)
            return jnp.logical_and(chunk < CHUNKS, unfinished)

        def body(carry):
            chunk = carry[0]
            cnts = list(carry[1:1 + G])
            vecs = carry[1 + G:1 + G + NV]
            pend = carry[1 + G + NV:]
            base = chunk * L
            nxt = load_chunks(base + UNROLL * L)
            ds = compute_ds(vecs)
            cnts = store_ds(pend, base - UNROLL * L, cnts)
            return (chunk + UNROLL, *cnts, *nxt, *ds)

        inf = jnp.full((L,), jnp.inf, jnp.float32)
        carry = lax.while_loop(
            cond, body,
            (jnp.int32(0),) + (jnp.int32(0),) * G + load_chunks(0)
            + (inf,) * ND)
        final_chunk = carry[0]
        cnts = store_ds(carry[1 + G + NV:], final_chunk * L - UNROLL * L,
                        carry[1:1 + G])

        for g in range(G):
            q = qs[g]
            v0 = nbrs[g][pl.ds(0, L)]
            v1 = nbrs[g][pl.ds(L, L)]
            first = v0[0]
            outb_v[pl.ds(q * K, L)] = jnp.where(lanes < cnts[g], v0, first)
            outb_v[pl.ds(q * K + L, L)] = jnp.where(lanes + L < cnts[g], v1, first)
        return 0

    lax.fori_loop(0, QPW // G, one_group, 0)

    pltpu.sync_copy(outb_v, out_hbm.at[pl.ds((b * S + qbase) * K, QPW * K)])


@jax.jit
def _ball_query(posx, centroids):
    mesh = plsc.VectorSubcoreMesh(core_axis_name="c", subcore_axis_name="s")
    run = pl.kernel(
        _ball_query_body,
        out_type=jax.ShapeDtypeStruct((B * S * K,), jnp.int32),
        mesh=mesh,
        compiler_params=pltpu.CompilerParams(needs_layout_passes=False),
        scratch_types=[
            pltpu.VMEM((N + UNROLL * L,), jnp.float32),
            pltpu.VMEM((N + UNROLL * L,), jnp.float32),
            pltpu.VMEM((N + UNROLL * L,), jnp.float32),
            pltpu.VMEM((N + UNROLL * L,), jnp.float32),
            pltpu.VMEM((QPW,), jnp.int32),
            pltpu.VMEM((QPW + L,), jnp.float32),
            pltpu.VMEM((QPW + L,), jnp.float32),
            pltpu.VMEM((QPW + L,), jnp.float32),
            pltpu.VMEM((QPW + L,), jnp.float32),
            pltpu.VMEM((N + UNROLL * L,), jnp.int32),
            pltpu.VMEM((N + UNROLL * L,), jnp.int32),
            pltpu.VMEM((N + UNROLL * L,), jnp.int32),
            pltpu.VMEM((N + UNROLL * L,), jnp.int32),
            pltpu.VMEM((QPW * K,), jnp.int32),
        ],
    )
    return run(posx, centroids).reshape(B, S, K)


def kernel(pos, centroids, centroids_index, index_voxels):
    del centroids_index, index_voxels
    posx = jnp.transpose(pos, (0, 2, 1)).reshape(-1)
    return _ball_query(posx, centroids.reshape(-1))

# --- scband reference (transcript-rebuilt; emitter-appended) ---
"""Pipeline reference for scband-grid-gcnnear-neighbors-33698313404549 (READ-ONLY COPY).

The authoritative reference and input builder live on the scoring server;
editing this copy changes nothing except your own understanding.
"""

import jax, jax.numpy as jnp
import numpy as np

RADIUS = 0.2
N_NEIGHBOR = 32


def square_distance(src, dst):
    dist = -2.0 * jnp.matmul(src, jnp.transpose(dst, (0, 2, 1)))
    dist = dist + jnp.sum(src ** 2, -1)[:, :, None]
    dist = dist + jnp.sum(dst ** 2, -1)[:, None, :]
    return dist


def index_points(points, idx):
    # points: [B, N, C], idx: [B, S] -> [B, S, C]
    return jax.vmap(lambda p, i: jnp.take(p, i, axis=0))(points, idx)


def setup_inputs(seed: int = 0) -> dict:
    key = jax.random.key(seed)
    k1, k2, k3 = jax.random.split(key, 3)
    pos = jax.random.uniform(k1, (8, 4096, 3), dtype=jnp.float32)
    centroids = jax.random.randint(k2, (8, 512), 0, 4096, dtype=jnp.int32)
    centroids_index = jax.random.randint(k3, (8, 512), 0, 4096, dtype=jnp.int32)
    index_voxels = jnp.zeros((1,), dtype=jnp.float32)
    return {"pos": pos, "centroids": centroids, "centroids_index": centroids_index, "index_voxels": index_voxels}


def reference(pos, centroids, centroids_index, index_voxels):
    B, N, _ = pos.shape
    center_pos = index_points(pos, centroids)
    S = center_pos.shape[1]
    group_idx = jnp.broadcast_to(jnp.arange(N, dtype=jnp.int32)[None, None, :], (B, S, N))
    sqrdists = square_distance(center_pos, pos)
    group_idx = jnp.where(sqrdists > RADIUS ** 2, N, group_idx)
    group_idx = jnp.sort(group_idx, axis=-1)[:, :, :N_NEIGHBOR]
    group_first = jnp.broadcast_to(group_idx[:, :, 0:1], (B, S, N_NEIGHBOR))
    mask = group_idx == N
    group_idx = jnp.where(mask, group_first, group_idx)
    return group_idx

if __name__ == "__main__":
    import jax
    _d = setup_inputs()
    print(jax.jit(kernel)(*tuple(_d.values())))

</pallas_src>

<mosaic_0001>
#map = affine_map<(d0, d1) -> (0)>
module attributes {stable_mosaic.version = 14 : i64} {
  func.func @_ball_query_body(%arg0: i32, %arg1: i32, %arg2: memref<98304xf32, #tpu.memory_space<hbm>>, %arg3: memref<4096xi32, #tpu.memory_space<hbm>>, %arg4: memref<131072xi32, #tpu.memory_space<hbm>>, %arg5: memref<4160xf32, #tpu.memory_space<vmem>>, %arg6: memref<4160xf32, #tpu.memory_space<vmem>>, %arg7: memref<4160xf32, #tpu.memory_space<vmem>>, %arg8: memref<4160xf32, #tpu.memory_space<vmem>>, %arg9: memref<128xi32, #tpu.memory_space<vmem>>, %arg10: memref<144xf32, #tpu.memory_space<vmem>>, %arg11: memref<144xf32, #tpu.memory_space<vmem>>, %arg12: memref<144xf32, #tpu.memory_space<vmem>>, %arg13: memref<144xf32, #tpu.memory_space<vmem>>, %arg14: memref<4160xi32, #tpu.memory_space<vmem>>, %arg15: memref<4160xi32, #tpu.memory_space<vmem>>, %arg16: memref<4160xi32, #tpu.memory_space<vmem>>, %arg17: memref<4160xi32, #tpu.memory_space<vmem>>, %arg18: memref<4096xi32, #tpu.memory_space<vmem>>) attributes {dimension_semantics = [#tpu.dimension_semantics<core_parallel>, #tpu.dimension_semantics<subcore_parallel>], iteration_bounds = array<i64: 2, 16>, scalar_prefetch = 0 : i64, scratch_operands = 14 : i64, tpu.core_type = #tpu.core_type<sc_vector_subcore>, window_params = [{transform_indices = #map}, {transform_indices = #map}, {transform_indices = #map}]} {
    %mul3A = arith.constant 2 : i32
    %mul3A_0 = arith.muli %arg1, %mul3A : i32
    %add3A = arith.addi %mul3A_0, %arg0 : i32
    %jit3A = arith.constant 4 : i32
    %div3A = arith.divsi %add3A, %jit3A : i32
    %sign3A = arith.constant 0 : i32
    %sign3A_1 = arith.cmpi sgt, %add3A, %sign3A : i32
    %sign3A_2 = arith.extui %sign3A_1 : i1 to i32
    %sign3A_3 = arith.constant 0 : i32
    %sign3A_4 = arith.cmpi slt, %add3A, %sign3A_3 : i32
    %sign3A_5 = arith.extui %sign3A_4 : i1 to i32
    %sign3A_6 = arith.subi %sign3A_2, %sign3A_5 : i32
    %sign3A_7 = arith.constant 0 : i32
    %sign3A_8 = arith.cmpi sgt, %jit3A, %sign3A_7 : i32
    %sign3A_9 = arith.extui %sign3A_8 : i1 to i32
    %sign3A_10 = arith.constant 0 : i32
    %sign3A_11 = arith.cmpi slt, %jit3A, %sign3A_10 : i32
    %sign3A_12 = arith.extui %sign3A_11 : i1 to i32
    %sign3A_13 = arith.subi %sign3A_9, %sign3A_12 : i32
    %ne3A = arith.cmpi ne, %sign3A_6, %sign3A_13 : i32
    %rem3A = arith.remsi %add3A, %jit3A : i32
    %ne3A_14 = arith.constant 0 : i32
    %ne3A_15 = arith.cmpi ne, %rem3A, %ne3A_14 : i32
    %and3A = arith.andi %ne3A, %ne3A_15 : i1
    %sub3A = arith.constant 1 : i32
    %sub3A_16 = arith.subi %div3A, %sub3A : i32
    %select_n3A = arith.select %and3A, %sub3A_16, %div3A : i32
    %jit3A_17 = arith.constant 4 : i32
    %eq3A = arith.constant 0 : i32
    %eq3A_18 = arith.cmpi eq, %jit3A_17, %eq3A : i32
    %jit3A_19 = arith.constant 1 : i32
    %select_n3A_20 = arith.select %eq3A_18, %jit3A_19, %jit3A_17 : i32
    %rem3A_21 = arith.remsi %add3A, %select_n3A_20 : i32
    %ne3A_22 = arith.constant 0 : i32
    %ne3A_23 = arith.cmpi ne, %rem3A_21, %ne3A_22 : i32
    %lt3A = arith.constant 0 : i32
    %lt3A_24 = arith.cmpi slt, %rem3A_21, %lt3A : i32
    %lt3A_25 = arith.constant 0 : i32
    %lt3A_26 = arith.cmpi slt, %select_n3A_20, %lt3A_25 : i32
    %ne3A_27 = arith.xori %lt3A_24, %lt3A_26 : i1
    %and3A_28 = arith.andi %ne3A_27, %ne3A_23 : i1
    %add3A_29 = arith.addi %rem3A_21, %select_n3A_20 : i32
    %select_n3A_30 = arith.select %and3A_28, %add3A_29, %rem3A_21 : i32
    %mul3A_31 = arith.constant 128 : i32
    %mul3A_32 = arith.muli %select_n3A_30, %mul3A_31 : i32
    %mul3A_33 = arith.constant 3 : i32
    %mul3A_34 = arith.muli %select_n3A, %mul3A_33 : i32
    %add3A_35 = arith.constant 0 : i32
    %add3A_36 = arith.addi %mul3A_34, %add3A_35 : i32
    %mul3A_37 = arith.constant 4096 : i32
    %mul3A_38 = arith.muli %add3A_36, %mul3A_37 : i32
    "tpu.region"() ({
      %run_scoped3A = tpu.sem_alloc : memref<!tpu.dma_semaphore, #tpu.memory_space<semaphore_mem>>
      %dma_start3A = arith.constant 0 : i32
      %dma_start3A_79 = tpu.memref_slice %arg5[%dma_start3A] : memref<4160xf32, #tpu.memory_space<vmem>> -> memref<4096xf32, #tpu.memory_space<vmem>>
      %dma_start3A_80 = tpu.memref_slice %arg2[%mul3A_38] : memref<98304xf32, #tpu.memory_space<hbm>> -> memref<4096xf32, #tpu.memory_space<hbm>>
      %dma_start3A_81 = arith.constant 0 : i32
      %dma_start3A_82 = tpu.memref_slice %arg5[%dma_start3A_81] : memref<4160xf32, #tpu.memory_space<vmem>> -> memref<4096xf32, #tpu.memory_space<vmem>>
      %dma_start3A_83 = tpu.memref_slice %arg2[%mul3A_38] : memref<98304xf32, #tpu.memory_space<hbm>> -> memref<4096xf32, #tpu.memory_space<hbm>>
      tpu.enqueue_dma source(%dma_start3A_83 : memref<4096xf32, #tpu.memory_space<hbm>>) target(%dma_start3A_82 : memref<4096xf32, #tpu.memory_space<vmem>>) target_semaphore(%run_scoped3A : memref<!tpu.dma_semaphore, #tpu.memory_space<semaphore_mem>>)
      %dma_wait3A = arith.constant 0 : i32
      %dma_wait3A_84 = tpu.memref_slice %arg5[%dma_wait3A] : memref<4160xf32, #tpu.memory_space<vmem>> -> memref<4096xf32, #tpu.memory_space<vmem>>
      %dma_wait3A_85 = tpu.memref_slice %arg2[%mul3A_38] : memref<98304xf32, #tpu.memory_space<hbm>> -> memref<4096xf32, #tpu.memory_space<hbm>>
      %dma_wait3A_86 = arith.constant 0 : i32
      %dma_wait3A_87 = tpu.memref_slice %arg5[%dma_wait3A_86] : memref<4160xf32, #tpu.memory_space<vmem>> -> memref<4096xf32, #tpu.memory_space<vmem>>
      %dma_wait3A_88 = tpu.memref_slice %arg2[%mul3A_38] : memref<98304xf32, #tpu.memory_space<hbm>> -> memref<4096xf32, #tpu.memory_space<hbm>>
      tpu.wait_dma2 semaphore(%run_scoped3A : memref<!tpu.dma_semaphore, #tpu.memory_space<semaphore_mem>>) src(%dma_wait3A_88 : memref<4096xf32, #tpu.memory_space<hbm>>) dst(%dma_wait3A_87 : memref<4096xf32, #tpu.memory_space<vmem>>)
      tpu.yield
    }) : () -> ()
    %mul3A_39 = arith.constant 3 : i32
    %mul3A_40 = arith.muli %select_n3A, %mul3A_39 : i32
    %add3A_41 = arith.constant 1 : i32
    %add3A_42 = arith.addi %mul3A_40, %add3A_41 : i32
    %mul3A_43 = arith.constant 4096 : i32
    %mul3A_44 = arith.muli %add3A_42, %mul3A_43 : i32
    "tpu.region"() ({
      %run_scoped3A = tpu.sem_alloc : memref<!tpu.dma_semaphore, #tpu.memory_space<semaphore_mem>>
      %dma_start3A = arith.constant 0 : i32
      %dma_start3A_79 = tpu.memref_slice %arg6[%dma_start3A] : memref<4160xf32, #tpu.memory_space<vmem>> -> memref<4096xf32, #tpu.memory_space<vmem>>
      %dma_start3A_80 = tpu.memref_slice %arg2[%mul3A_44] : memref<98304xf32, #tpu.memory_space<hbm>> -> memref<4096xf32, #tpu.memory_space<hbm>>
      %dma_start3A_81 = arith.constant 0 : i32
      %dma_start3A_82 = tpu.memref_slice %arg6[%dma_start3A_81] : memref<4160xf32, #tpu.memory_space<vmem>> -> memref<4096xf32, #tpu.memory_space<vmem>>
      %dma_start3A_83 = tpu.memref_slice %arg2[%mul3A_44] : memref<98304xf32, #tpu.memory_space<hbm>> -> memref<4096xf32, #tpu.memory_space<hbm>>
      tpu.enqueue_dma source(%dma_start3A_83 : memref<4096xf32, #tpu.memory_space<hbm>>) target(%dma_start3A_82 : memref<4096xf32, #tpu.memory_space<vmem>>) target_semaphore(%run_scoped3A : memref<!tpu.dma_semaphore, #tpu.memory_space<semaphore_mem>>)
      %dma_wait3A = arith.constant 0 : i32
      %dma_wait3A_84 = tpu.memref_slice %arg6[%dma_wait3A] : memref<4160xf32, #tpu.memory_space<vmem>> -> memref<4096xf32, #tpu.memory_space<vmem>>
      %dma_wait3A_85 = tpu.memref_slice %arg2[%mul3A_44] : memref<98304xf32, #tpu.memory_space<hbm>> -> memref<4096xf32, #tpu.memory_space<hbm>>
      %dma_wait3A_86 = arith.constant 0 : i32
      %dma_wait3A_87 = tpu.memref_slice %arg6[%dma_wait3A_86] : memref<4160xf32, #tpu.memory_space<vmem>> -> memref<4096xf32, #tpu.memory_space<vmem>>
      %dma_wait3A_88 = tpu.memref_slice %arg2[%mul3A_44] : memref<98304xf32, #tpu.memory_space<hbm>> -> memref<4096xf32, #tpu.memory_space<hbm>>
      tpu.wait_dma2 semaphore(%run_scoped3A : memref<!tpu.dma_semaphore, #tpu.memory_space<semaphore_mem>>) src(%dma_wait3A_88 : memref<4096xf32, #tpu.memory_space<hbm>>) dst(%dma_wait3A_87 : memref<4096xf32, #tpu.memory_space<vmem>>)
      tpu.yield
    }) : () -> ()
    %mul3A_45 = arith.constant 3 : i32
    %mul3A_46 = arith.muli %select_n3A, %mul3A_45 : i32
    %add3A_47 = arith.constant 2 : i32
    %add3A_48 = arith.addi %mul3A_46, %add3A_47 : i32
    %mul3A_49 = arith.constant 4096 : i32
    %mul3A_50 = arith.muli %add3A_48, %mul3A_49 : i32
    "tpu.region"() ({
      %run_scoped3A = tpu.sem_alloc : memref<!tpu.dma_semaphore, #tpu.memory_space<semaphore_mem>>
      %dma_start3A = arith.constant 0 : i32
      %dma_start3A_79 = tpu.memref_slice %arg7[%dma_start3A] : memref<4160xf32, #tpu.memory_space<vmem>> -> memref<4096xf32, #tpu.memory_space<vmem>>
      %dma_start3A_80 = tpu.memref_slice %arg2[%mul3A_50] : memref<98304xf32, #tpu.memory_space<hbm>> -> memref<4096xf32, #tpu.memory_space<hbm>>
      %dma_start3A_81 = arith.constant 0 : i32
      %dma_start3A_82 = tpu.memref_slice %arg7[%dma_start3A_81] : memref<4160xf32, #tpu.memory_space<vmem>> -> memref<4096xf32, #tpu.memory_space<vmem>>
      %dma_start3A_83 = tpu.memref_slice %arg2[%mul3A_50] : memref<98304xf32, #tpu.memory_space<hbm>> -> memref<4096xf32, #tpu.memory_space<hbm>>
      tpu.enqueue_dma source(%dma_start3A_83 : memref<4096xf32, #tpu.memory_space<hbm>>) target(%dma_start3A_82 : memref<4096xf32, #tpu.memory_space<vmem>>) target_semaphore(%run_scoped3A : memref<!tpu.dma_semaphore, #tpu.memory_space<semaphore_mem>>)
      %dma_wait3A = arith.constant 0 : i32
      %dma_wait3A_84 = tpu.memref_slice %arg7[%dma_wait3A] : memref<4160xf32, #tpu.memory_space<vmem>> -> memref<4096xf32, #tpu.memory_space<vmem>>
      %dma_wait3A_85 = tpu.memref_slice %arg2[%mul3A_50] : memref<98304xf32, #tpu.memory_space<hbm>> -> memref<4096xf32, #tpu.memory_space<hbm>>
      %dma_wait3A_86 = arith.constant 0 : i32
      %dma_wait3A_87 = tpu.memref_slice %arg7[%dma_wait3A_86] : memref<4160xf32, #tpu.memory_space<vmem>> -> memref<4096xf32, #tpu.memory_space<vmem>>
      %dma_wait3A_88 = tpu.memref_slice %arg2[%mul3A_50] : memref<98304xf32, #tpu.memory_space<hbm>> -> memref<4096xf32, #tpu.memory_space<hbm>>
      tpu.wait_dma2 semaphore(%run_scoped3A : memref<!tpu.dma_semaphore, #tpu.memory_space<semaphore_mem>>) src(%dma_wait3A_88 : memref<4096xf32, #tpu.memory_space<hbm>>) dst(%dma_wait3A_87 : memref<4096xf32, #tpu.memory_space<vmem>>)
      tpu.yield
    }) : () -> ()
    %mul3A_51 = arith.constant 512 : i32
    %mul3A_52 = arith.muli %select_n3A, %mul3A_51 : i32
    %add3A_53 = arith.addi %mul3A_52, %mul3A_32 : i32
    "tpu.region"() ({
      %run_scoped3A = tpu.sem_alloc : memref<!tpu.dma_semaphore, #tpu.memory_space<semaphore_mem>>
      %dma_start3A = tpu.memref_slice %arg3[%add3A_53] : memref<4096xi32, #tpu.memory_space<hbm>> -> memref<128xi32, #tpu.memory_space<hbm>>
      %dma_start3A_79 = tpu.memref_slice %arg3[%add3A_53] : memref<4096xi32, #tpu.memory_space<hbm>> -> memref<128xi32, #tpu.memory_space<hbm>>
      tpu.enqueue_dma source(%dma_start3A_79 : memref<128xi32, #tpu.memory_space<hbm>>) target(%arg9 : memref<128xi32, #tpu.memory_space<vmem>>) target_semaphore(%run_scoped3A : memref<!tpu.dma_semaphore, #tpu.memory_space<semaphore_mem>>)
      %dma_wait3A = tpu.memref_slice %arg3[%add3A_53] : memref<4096xi32, #tpu.memory_space<hbm>> -> memref<128xi32, #tpu.memory_space<hbm>>
      %dma_wait3A_80 = tpu.memref_slice %arg3[%add3A_53] : memref<4096xi32, #tpu.memory_space<hbm>> -> memref<128xi32, #tpu.memory_space<hbm>>
      tpu.wait_dma2 semaphore(%run_scoped3A : memref<!tpu.dma_semaphore, #tpu.memory_space<semaphore_mem>>) src(%dma_wait3A_80 : memref<128xi32, #tpu.memory_space<hbm>>) dst(%arg9 : memref<128xi32, #tpu.memory_space<vmem>>)
      tpu.yield
    }) : () -> ()
    %scan3A = arith.constant 0 : i32
    %scan3A_54 = arith.constant 0 : i32
    %scan3A_55 = arith.constant 8 : i32
    %scan3A_56 = arith.addi %scan3A_54, %scan3A_55 : i32
    %scan3A_57 = arith.constant 1 : i32
    %scan3A_58 = scf.for %scan3A_79 = %scan3A_54 to %scan3A_56 step %scan3A_57 iter_args(%scan3A_80 = %scan3A) -> (i32)  : i32 {
      %mul3A_81 = arith.constant 16 : i32
      %mul3A_82 = arith.muli %scan3A_79, %mul3A_81 : i32
      %get3A = arith.index_cast %mul3A_82 : i32 to index
      %get3A_83 = tpu.vector_load %arg9[%get3A] {strides = array<i32>} : memref<128xi32, #tpu.memory_space<vmem>>, vector<16xi32>,
      %gather3A = tpu.vector_load_idx %arg5[%get3A_83] : memref<4160xf32, #tpu.memory_space<vmem>>[vector<16xi32>], vector<16xf32>,
      %gather3A_84 = tpu.vector_load_idx %arg6[%get3A_83] : memref<4160xf32, #tpu.memory_space<vmem>>[vector<16xi32>], vector<16xf32>,
      %gather3A_85 = tpu.vector_load_idx %arg7[%get3A_83] : memref<4160xf32, #tpu.memory_space<vmem>>[vector<16xi32>], vector<16xf32>,
      %mul3A_86 = arith.mulf %gather3A, %gather3A : vector<16xf32>
      %mul3A_87 = arith.mulf %gather3A_84, %gather3A_84 : vector<16xf32>
      %add3A_88 = arith.addf %mul3A_86, %mul3A_87 : vector<16xf32>
      %mul3A_89 = arith.mulf %gather3A_85, %gather3A_85 : vector<16xf32>
      %add3A_90 = arith.addf %add3A_88, %mul3A_89 : vector<16xf32>
      %swap3A = arith.index_cast %mul3A_82 : i32 to index
      %swap3A_91 = tpu.vector_load %arg13[%swap3A] {strides = array<i32>} : memref<144xf32, #tpu.memory_space<vmem>>, vector<16xf32>,
      tpu.vector_store %arg13[%swap3A], %add3A_90 {strides = array<i32>} : memref<144xf32, #tpu.memory_space<vmem>>, vector<16xf32>,
      %bitcast_convert_type3A = tpu.bitcast %gather3A : vector<16xf32> -> vector<16xi32>
      %add3A_92 = arith.constant 32767 : i32
      %add3A_93 = vector.broadcast %add3A_92 : i32 to vector<16xi32>
      %add3A_94 = arith.addi %bitcast_convert_type3A, %add3A_93 : vector<16xi32>
      %shift_right_arithmetic3A = arith.constant 16 : i32
      %shift_right_arithmetic3A_95 = vector.broadcast %shift_right_arithmetic3A : i32 to vector<16xi32>
      %shift_right_arithmetic3A_96 = arith.shrsi %bitcast_convert_type3A, %shift_right_arithmetic3A_95 : vector<16xi32>
      %and3A_97 = arith.constant 1 : i32
      %and3A_98 = vector.broadcast %and3A_97 : i32 to vector<16xi32>
      %and3A_99 = arith.andi %shift_right_arithmetic3A_96, %and3A_98 : vector<16xi32>
      %add3A_100 = arith.addi %add3A_94, %and3A_99 : vector<16xi32>
      %and3A_101 = arith.constant -65536 : i32
      %and3A_102 = vector.broadcast %and3A_101 : i32 to vector<16xi32>
      %and3A_103 = arith.andi %add3A_100, %and3A_102 : vector<16xi32>
      %bitcast_convert_type3A_104 = tpu.bitcast %and3A_103 : vector<16xi32> -> vector<16xf32>
      %mul3A_105 = arith.constant -2.000000e+00 : f32
      %mul3A_106 = vector.broadcast %mul3A_105 : f32 to vector<16xf32>
      %mul3A_107 = arith.mulf %bitcast_convert_type3A_104, %mul3A_106 : vector<16xf32>
      %swap3A_108 = arith.index_cast %mul3A_82 : i32 to index
      %swap3A_109 = tpu.vector_load %arg10[%swap3A_108] {strides = array<i32>} : memref<144xf32, #tpu.memory_space<vmem>>, vector<16xf32>,
      tpu.vector_store %arg10[%swap3A_108], %mul3A_107 {strides = array<i32>} : memref<144xf32, #tpu.memory_space<vmem>>, vector<16xf32>,
      %bitcast_convert_type3A_110 = tpu.bitcast %gather3A_84 : vector<16xf32> -> vector<16xi32>
      %add3A_111 = arith.constant 32767 : i32
      %add3A_112 = vector.broadcast %add3A_111 : i32 to vector<16xi32>
      %add3A_113 = arith.addi %bitcast_convert_type3A_110, %add3A_112 : vector<16xi32>
      %shift_right_arithmetic3A_114 = arith.constant 16 : i32
      %shift_right_arithmetic3A_115 = vector.broadcast %shift_right_arithmetic3A_114 : i32 to vector<16xi32>
      %shift_right_arithmetic3A_116 = arith.shrsi %bitcast_convert_type3A_110, %shift_right_arithmetic3A_115 : vector<16xi32>
      %and3A_117 = arith.constant 1 : i32
      %and3A_118 = vector.broadcast %and3A_117 : i32 to vector<16xi32>
      %and3A_119 = arith.andi %shift_right_arithmetic3A_116, %and3A_118 : vector<16xi32>
      %add3A_120 = arith.addi %add3A_113, %and3A_119 : vector<16xi32>
      %and3A_121 = arith.constant -65536 : i32
      %and3A_122 = vector.broadcast %and3A_121 : i32 to vector<16xi32>
      %and3A_123 = arith.andi %add3A_120, %and3A_122 : vector<16xi32>
      %bitcast_convert_type3A_124 = tpu.bitcast %and3A_123 : vector<16xi32> -> vector<16xf32>
      %mul3A_125 = arith.constant -2.000000e+00 : f32
      %mul3A_126 = vector.broadcast %mul3A_125 : f32 to vector<16xf32>
      %mul3A_127 = arith.mulf %bitcast_convert_type3A_124, %mul3A_126 : vector<16xf32>
      %swap3A_128 = arith.index_cast %mul3A_82 : i32 to index
      %swap3A_129 = tpu.vector_load %arg11[%swap3A_128] {strides = array<i32>} : memref<144xf32, #tpu.memory_space<vmem>>, vector<16xf32>,
      tpu.vector_store %arg11[%swap3A_128], %mul3A_127 {strides = array<i32>} : memref<144xf32, #tpu.memory_space<vmem>>, vector<16xf32>,
      %bitcast_convert_type3A_130 = tpu.bitcast %gather3A_85 : vector<16xf32> -> vector<16xi32>
      %add3A_131 = arith.constant 32767 : i32
      %add3A_132 = vector.broadcast %add3A_131 : i32 to vector<16xi32>
      %add3A_133 = arith.addi %bitcast_convert_type3A_130, %add3A_132 : vector<16xi32>
      %shift_right_arithmetic3A_134 = arith.constant 16 : i32
      %shift_right_arithmetic3A_135 = vector.broadcast %shift_right_arithmetic3A_134 : i32 to vector<16xi32>
      %shift_right_arithmetic3A_136 = arith.shrsi %bitcast_convert_type3A_130, %shift_right_arithmetic3A_135 : vector<16xi32>
      %and3A_137 = arith.constant 1 : i32
      %and3A_138 = vector.broadcast %and3A_137 : i32 to vector<16xi32>
      %and3A_139 = arith.andi %shift_right_arithmetic3A_136, %and3A_138 : vector<16xi32>
      %add3A_140 = arith.addi %add3A_133, %and3A_139 : vector<16xi32>
      %and3A_141 = arith.constant -65536 : i32
      %and3A_142 = vector.broadcast %and3A_141 : i32 to vector<16xi32>
      %and3A_143 = arith.andi %add3A_140, %and3A_142 : vector<16xi32>
      %bitcast_convert_type3A_144 = tpu.bitcast %and3A_143 : vector<16xi32> -> vector<16xf32>
      %mul3A_145 = arith.constant -2.000000e+00 : f32
      %mul3A_146 = vector.broadcast %mul3A_145 : f32 to vector<16xf32>
      %mul3A_147 = arith.mulf %bitcast_convert_type3A_144, %mul3A_146 : vector<16xf32>
      %swap3A_148 = arith.index_cast %mul3A_82 : i32 to index
      %swap3A_149 = tpu.vector_load %arg12[%swap3A_148] {strides = array<i32>} : memref<144xf32, #tpu.memory_space<vmem>>, vector<16xf32>,
      tpu.vector_store %arg12[%swap3A_148], %mul3A_147 {strides = array<i32>} : memref<144xf32, #tpu.memory_space<vmem>>, vector<16xf32>,
      %scan3A_150 = arith.constant 0 : i32
      scf.yield %scan3A_150 : i32
    }
    %scan3A_59 = arith.constant 8 : i32
    %scan3A_60 = arith.constant 0 : i32
    %scan3A_61 = arith.constant 0 : i32
    %scan3A_62 = arith.constant 256 : i32
    %scan3A_63 = arith.addi %scan3A_61, %scan3A_62 : i32
    %scan3A_64 = arith.constant 1 : i32
    %scan3A_65 = scf.for %scan3A_79 = %scan3A_61 to %scan3A_63 step %scan3A_64 iter_args(%scan3A_80 = %scan3A_60) -> (i32)  : i32 {
      %mul3A_81 = arith.constant 16 : i32
      %mul3A_82 = arith.muli %scan3A_79, %mul3A_81 : i32
      %get3A = arith.index_cast %mul3A_82 : i32 to index
      %get3A_83 = tpu.vector_load %arg5[%get3A] {strides = array<i32>} : memref<4160xf32, #tpu.memory_space<vmem>>, vector<16xf32>,
      %get3A_84 = arith.index_cast %mul3A_82 : i32 to index
      %get3A_85 = tpu.vector_load %arg6[%get3A_84] {strides = array<i32>} : memref<4160xf32, #tpu.memory_space<vmem>>, vector<16xf32>,
      %get3A_86 = arith.index_cast %mul3A_82 : i32 to index
      %get3A_87 = tpu.vector_load %arg7[%get3A_86] {strides = array<i32>} : memref<4160xf32, #tpu.memory_space<vmem>>, vector<16xf32>,
      %mul3A_88 = arith.mulf %get3A_83, %get3A_83 : vector<16xf32>
      %mul3A_89 = arith.mulf %get3A_85, %get3A_85 : vector<16xf32>
      %add3A_90 = arith.addf %mul3A_88, %mul3A_89 : vector<16xf32>
      %mul3A_91 = arith.mulf %get3A_87, %get3A_87 : vector<16xf32>
      %add3A_92 = arith.addf %add3A_90, %mul3A_91 : vector<16xf32>
      %swap3A = arith.index_cast %mul3A_82 : i32 to index
      %swap3A_93 = tpu.vector_load %arg8[%swap3A] {strides = array<i32>} : memref<4160xf32, #tpu.memory_space<vmem>>, vector<16xf32>,
      tpu.vector_store %arg8[%swap3A], %add3A_92 {strides = array<i32>} : memref<4160xf32, #tpu.memory_space<vmem>>, vector<16xf32>,
      %bitcast_convert_type3A = tpu.bitcast %get3A_83 : vector<16xf32> -> vector<16xi32>
      %add3A_94 = arith.constant 32767 : i32
      %add3A_95 = vector.broadcast %add3A_94 : i32 to vector<16xi32>
      %add3A_96 = arith.addi %bitcast_convert_type3A, %add3A_95 : vector<16xi32>
      %shift_right_arithmetic3A = arith.constant 16 : i32
      %shift_right_arithmetic3A_97 = vector.broadcast %shift_right_arithmetic3A : i32 to vector<16xi32>
      %shift_right_arithmetic3A_98 = arith.shrsi %bitcast_convert_type3A, %shift_right_arithmetic3A_97 : vector<16xi32>
      %and3A_99 = arith.constant 1 : i32
      %and3A_100 = vector.broadcast %and3A_99 : i32 to vector<16xi32>
      %and3A_101 = arith.andi %shift_right_arithmetic3A_98, %and3A_100 : vector<16xi32>
      %add3A_102 = arith.addi %add3A_96, %and3A_101 : vector<16xi32>
      %and3A_103 = arith.constant -65536 : i32
      %and3A_104 = vector.broadcast %and3A_103 : i32 to vector<16xi32>
      %and3A_105 = arith.andi %add3A_102, %and3A_104 : vector<16xi32>
      %bitcast_convert_type3A_106 = tpu.bitcast %and3A_105 : vector<16xi32> -> vector<16xf32>
      %swap3A_107 = arith.index_cast %mul3A_82 : i32 to index
      %swap3A_108 = tpu.vector_load %arg5[%swap3A_107] {strides = array<i32>} : memref<4160xf32, #tpu.memory_space<vmem>>, vector<16xf32>,
      tpu.vector_store %arg5[%swap3A_107], %bitcast_convert_type3A_106 {strides = array<i32>} : memref<4160xf32, #tpu.memory_space<vmem>>, vector<16xf32>,
      %bitcast_convert_type3A_109 = tpu.bitcast %get3A_85 : vector<16xf32> -> vector<16xi32>
      %add3A_110 = arith.constant 32767 : i32
      %add3A_111 = vector.broadcast %add3A_110 : i32 to vector<16xi32>
      %add3A_112 = arith.addi %bitcast_convert_type3A_109, %add3A_111 : vector<16xi32>
      %shift_right_arithmetic3A_113 = arith.constant 16 : i32
      %shift_right_arithmetic3A_114 = vector.broadcast %shift_right_arithmetic3A_113 : i32 to vector<16xi32>
      %shift_right_arithmetic3A_115 = arith.shrsi %bitcast_convert_type3A_109, %shift_right_arithmetic3A_114 : vector<16xi32>
      %and3A_116 = arith.constant 1 : i32
      %and3A_117 = vector.broadcast %and3A_116 : i32 to vector<16xi32>
      %and3A_118 = arith.andi %shift_right_arithmetic3A_115, %and3A_117 : vector<16xi32>
      %add3A_119 = arith.addi %add3A_112, %and3A_118 : vector<16xi32>
      %and3A_120 = arith.constant -65536 : i32
      %and3A_121 = vector.broadcast %and3A_120 : i32 to vector<16xi32>
      %and3A_122 = arith.andi %add3A_119, %and3A_121 : vector<16xi32>
      %bitcast_convert_type3A_123 = tpu.bitcast %and3A_122 : vector<16xi32> -> vector<16xf32>
      %swap3A_124 = arith.index_cast %mul3A_82 : i32 to index
      %swap3A_125 = tpu.vector_load %arg6[%swap3A_124] {strides = array<i32>} : memref<4160xf32, #tpu.memory_space<vmem>>, vector<16xf32>,
      tpu.vector_store %arg6[%swap3A_124], %bitcast_convert_type3A_123 {strides = array<i32>} : memref<4160xf32, #tpu.memory_space<vmem>>, vector<16xf32>,
      %bitcast_convert_type3A_126 = tpu.bitcast %get3A_87 : vector<16xf32> -> vector<16xi32>
      %add3A_127 = arith.constant 32767 : i32
      %add3A_128 = vector.broadcast %add3A_127 : i32 to vector<16xi32>
      %add3A_129 = arith.addi %bitcast_convert_type3A_126, %add3A_128 : vector<16xi32>
      %shift_right_arithmetic3A_130 = arith.constant 16 : i32
      %shift_right_arithmetic3A_131 = vector.broadcast %shift_right_arithmetic3A_130 : i32 to vector<16xi32>
      %shift_right_arithmetic3A_132 = arith.shrsi %bitcast_convert_type3A_126, %shift_right_arithmetic3A_131 : vector<16xi32>
      %and3A_133 = arith.constant 1 : i32
      %and3A_134 = vector.broadcast %and3A_133 : i32 to vector<16xi32>
      %and3A_135 = arith.andi %shift_right_arithmetic3A_132, %and3A_134 : vector<16xi32>
      %add3A_136 = arith.addi %add3A_129, %and3A_135 : vector<16xi32>
      %and3A_137 = arith.constant -65536 : i32
      %and3A_138 = vector.broadcast %and3A_137 : i32 to vector<16xi32>
      %and3A_139 = arith.andi %add3A_136, %and3A_138 : vector<16xi32>
      %bitcast_convert_type3A_140 = tpu.bitcast %and3A_139 : vector<16xi32> -> vector<16xf32>
      %swap3A_141 = arith.index_cast %mul3A_82 : i32 to index
      %swap3A_142 = tpu.vector_load %arg7[%swap3A_141] {strides = array<i32>} : memref<4160xf32, #tpu.memory_space<vmem>>, vector<16xf32>,
      tpu.vector_store %arg7[%swap3A_141], %bitcast_convert_type3A_140 {strides = array<i32>} : memref<4160xf32, #tpu.memory_space<vmem>>, vector<16xf32>,
      %scan3A_143 = arith.constant 0 : i32
      scf.yield %scan3A_143 : i32
    }
    %scan3A_66 = arith.constant 256 : i32
    %iota3A = tpu.iota {dimensions = array<i32: 0>} : vector<16xi32>
    %scan3A_67 = arith.constant 0 : i32
    %scan3A_68 = arith.constant 0 : i32
    %scan3A_69 = arith.constant 64 : i32
    %scan3A_70 = arith.addi %scan3A_68, %scan3A_69 : i32
    %scan3A_71 = arith.constant 1 : i32
    %scan3A_72 = scf.for %scan3A_79 = %scan3A_68 to %scan3A_70 step %scan3A_71 iter_args(%scan3A_80 = %scan3A_67) -> (i32)  : i32 {
      %add3A_81 = arith.constant 0 : i32
      %add3A_82 = arith.addi %scan3A_79, %add3A_81 : i32
      %add3A_83 = arith.constant 64 : i32
      %add3A_84 = arith.addi %scan3A_79, %add3A_83 : i32
      %get3A = arith.index_cast %add3A_82 : i32 to index
      %get3A_85 = tpu.vector_load %arg10[%get3A] {strides = array<i32>} : memref<144xf32, #tpu.memory_space<vmem>>, vector<16xf32>,
      %slice3A = vector.extract_strided_slice %get3A_85 {offsets = [0], sizes = [1], strides = [1]} : vector<16xf32> to vector<1xf32>
      %squeeze3A = vector.extract %slice3A[0] : f32 from vector<1xf32>
      %get3A_86 = arith.index_cast %add3A_84 : i32 to index
      %get3A_87 = tpu.vector_load %arg10[%get3A_86] {strides = array<i32>} : memref<144xf32, #tpu.memory_space<vmem>>, vector<16xf32>,
      %slice3A_88 = vector.extract_strided_slice %get3A_87 {offsets = [0], sizes = [1], strides = [1]} : vector<16xf32> to vector<1xf32>
      %squeeze3A_89 = vector.extract %slice3A_88[0] : f32 from vector<1xf32>
      %get3A_90 = arith.index_cast %add3A_82 : i32 to index
      %get3A_91 = tpu.vector_load %arg11[%get3A_90] {strides = array<i32>} : memref<144xf32, #tpu.memory_space<vmem>>, vector<16xf32>,
      %slice3A_92 = vector.extract_strided_slice %get3A_91 {offsets = [0], sizes = [1], strides = [1]} : vector<16xf32> to vector<1xf32>
      %squeeze3A_93 = vector.extract %slice3A_92[0] : f32 from vector<1xf32>
      %get3A_94 = arith.index_cast %add3A_84 : i32 to index
      %get3A_95 = tpu.vector_load %arg11[%get3A_94] {strides = array<i32>} : memref<144xf32, #tpu.memory_space<vmem>>, vector<16xf32>,
      %slice3A_96 = vector.extract_strided_slice %get3A_95 {offsets = [0], sizes = [1], strides = [1]} : vector<16xf32> to vector<1xf32>
      %squeeze3A_97 = vector.extract %slice3A_96[0] : f32 from vector<1xf32>
      %get3A_98 = arith.index_cast %add3A_82 : i32 to index
      %get3A_99 = tpu.vector_load %arg12[%get3A_98] {strides = array<i32>} : memref<144xf32, #tpu.memory_space<vmem>>, vector<16xf32>,
      %slice3A_100 = vector.extract_strided_slice %get3A_99 {offsets = [0], sizes = [1], strides = [1]} : vector<16xf32> to vector<1xf32>
      %squeeze3A_101 = vector.extract %slice3A_100[0] : f32 from vector<1xf32>
      %get3A_102 = arith.index_cast %add3A_84 : i32 to index
      %get3A_103 = tpu.vector_load %arg12[%get3A_102] {strides = array<i32>} : memref<144xf32, #tpu.memory_space<vmem>>, vector<16xf32>,
      %slice3A_104 = vector.extract_strided_slice %get3A_103 {offsets = [0], sizes = [1], strides = [1]} : vector<16xf32> to vector<1xf32>
      %squeeze3A_105 = vector.extract %slice3A_104[0] : f32 from vector<1xf32>
      %get3A_106 = arith.index_cast %add3A_82 : i32 to index
      %get3A_107 = tpu.vector_load %arg13[%get3A_106] {strides = array<i32>} : memref<144xf32, #tpu.memory_space<vmem>>, vector<16xf32>,
      %slice3A_108 = vector.extract_strided_slice %get3A_107 {offsets = [0], sizes = [1], strides = [1]} : vector<16xf32> to vector<1xf32>
      %squeeze3A_109 = vector.extract %slice3A_108[0] : f32 from vector<1xf32>
      %get3A_110 = arith.index_cast %add3A_84 : i32 to index
      %get3A_111 = tpu.vector_load %arg13[%get3A_110] {strides = array<i32>} : memref<144xf32, #tpu.memory_space<vmem>>, vector<16xf32>,
      %slice3A_112 = vector.extract_strided_slice %get3A_111 {offsets = [0], sizes = [1], strides = [1]} : vector<16xf32> to vector<1xf32>
      %squeeze3A_113 = vector.extract %slice3A_112[0] : f32 from vector<1xf32>
      %broadcast_in_dim3A = arith.constant 0x7F800000 : f32
      %broadcast_in_dim3A_114 = vector.broadcast %broadcast_in_dim3A : f32 to vector<16xf32>
      %get3A_115 = arith.constant 0 : index
      %get3A_116 = tpu.vector_load %arg5[%get3A_115] {strides = array<i32>} : memref<4160xf32, #tpu.memory_space<vmem>>, vector<16xf32>,
      %get3A_117 = arith.constant 0 : index
      %get3A_118 = tpu.vector_load %arg6[%get3A_117] {strides = array<i32>} : memref<4160xf32, #tpu.memory_space<vmem>>, vector<16xf32>,
      %get3A_119 = arith.constant 0 : index
      %get3A_120 = tpu.vector_load %arg7[%get3A_119] {strides = array<i32>} : memref<4160xf32, #tpu.memory_space<vmem>>, vector<16xf32>,
      %get3A_121 = arith.constant 0 : index
      %get3A_122 = tpu.vector_load %arg8[%get3A_121] {strides = array<i32>} : memref<4160xf32, #tpu.memory_space<vmem>>, vector<16xf32>,
      %get3A_123 = arith.constant 16 : index
      %get3A_124 = tpu.vector_load %arg5[%get3A_123] {strides = array<i32>} : memref<4160xf32, #tpu.memory_space<vmem>>, vector<16xf32>,
      %get3A_125 = arith.constant 16 : index
      %get3A_126 = tpu.vector_load %arg6[%get3A_125] {strides = array<i32>} : memref<4160xf32, #tpu.memory_space<vmem>>, vector<16xf32>,
      %get3A_127 = arith.constant 16 : index
      %get3A_128 = tpu.vector_load %arg7[%get3A_127] {strides = array<i32>} : memref<4160xf32, #tpu.memory_space<vmem>>, vector<16xf32>,
      %get3A_129 = arith.constant 16 : index
      %get3A_130 = tpu.vector_load %arg8[%get3A_129] {strides = array<i32>} : memref<4160xf32, #tpu.memory_space<vmem>>, vector<16xf32>,
      %get3A_131 = arith.constant 32 : index
      %get3A_132 = tpu.vector_load %arg5[%get3A_131] {strides = array<i32>} : memref<4160xf32, #tpu.memory_space<vmem>>, vector<16xf32>,
      %get3A_133 = arith.constant 32 : index
      %get3A_134 = tpu.vector_load %arg6[%get3A_133] {strides = array<i32>} : memref<4160xf32, #tpu.memory_space<vmem>>, vector<16xf32>,
      %get3A_135 = arith.constant 32 : index
      %get3A_136 = tpu.vector_load %arg7[%get3A_135] {strides = array<i32>} : memref<4160xf32, #tpu.memory_space<vmem>>, vector<16xf32>,
      %get3A_137 = arith.constant 32 : index
      %get3A_138 = tpu.vector_load %arg8[%get3A_137] {strides = array<i32>} : memref<4160xf32, #tpu.memory_space<vmem>>, vector<16xf32>,
      %get3A_139 = arith.constant 48 : index
      %get3A_140 = tpu.vector_load %arg5[%get3A_139] {strides = array<i32>} : memref<4160xf32, #tpu.memory_space<vmem>>, vector<16xf32>,
      %get3A_141 = arith.constant 48 : index
      %get3A_142 = tpu.vector_load %arg6[%get3A_141] {strides = array<i32>} : memref<4160xf32, #tpu.memory_space<vmem>>, vector<16xf32>,
      %get3A_143 = arith.constant 48 : index
      %get3A_144 = tpu.vector_load %arg7[%get3A_143] {strides = array<i32>} : memref<4160xf32, #tpu.memory_space<vmem>>, vector<16xf32>,
      %get3A_145 = arith.constant 48 : index
      %get3A_146 = tpu.vector_load %arg8[%get3A_145] {strides = array<i32>} : memref<4160xf32, #tpu.memory_space<vmem>>, vector<16xf32>,
      %while3A = arith.constant 0 : i32
      %while3A_147 = arith.constant 0 : i32
      %while3A_148 = arith.constant 0 : i32
      %while3A_149:27 = scf.while (%while3A_294 = %while3A, %while3A_295 = %while3A_147, %while3A_296 = %while3A_148, %while3A_297 = %get3A_116, %while3A_298 = %get3A_118, %while3A_299 = %get3A_120, %while3A_300 = %get3A_122, %while3A_301 = %get3A_124, %while3A_302 = %get3A_126, %while3A_303 = %get3A_128, %while3A_304 = %get3A_130, %while3A_305 = %get3A_132, %while3A_306 = %get3A_134, %while3A_307 = %get3A_136, %while3A_308 = %get3A_138, %while3A_309 = %get3A_140, %while3A_310 = %get3A_142, %while3A_311 = %get3A_144, %while3A_312 = %get3A_146, %while3A_313 = %broadcast_in_dim3A_114, %while3A_314 = %broadcast_in_dim3A_114, %while3A_315 = %broadcast_in_dim3A_114, %while3A_316 = %broadcast_in_dim3A_114, %while3A_317 = %broadcast_in_dim3A_114, %while3A_318 = %broadcast_in_dim3A_114, %while3A_319 = %broadcast_in_dim3A_114, %while3A_320 = %broadcast_in_dim3A_114) : (i32, i32, i32, vector<16xf32>, vector<16xf32>, vector<16xf32>, vector<16xf32>, vector<16xf32>, vector<16xf32>, vector<16xf32>, vector<16xf32>, vector<16xf32>, vector<16xf32>, vector<16xf32>, vector<16xf32>, vector<16xf32>, vector<16xf32>, vector<16xf32>, vector<16xf32>, vector<16xf32>, vector<16xf32>, vector<16xf32>, vector<16xf32>, vector<16xf32>, vector<16xf32>, vector<16xf32>, vector<16xf32>) -> (i32, i32, i32, vector<16xf32>, vector<16xf32>, vector<16xf32>, vector<16xf32>, vector<16xf32>, vector<16xf32>, vector<16xf32>, vector<16xf32>, vector<16xf32>, vector<16xf32>, vector<16xf32>, vector<16xf32>, vector<16xf32>, vector<16xf32>, vector<16xf32>, vector<16xf32>, vector<16xf32>, vector<16xf32>, vector<16xf32>, vector<16xf32>, vector<16xf32>, vector<16xf32>, vector<16xf32>, vector<16xf32>) {
        %lt3A_321 = arith.constant 32 : i32
        %lt3A_322 = arith.cmpi slt, %while3A_295, %lt3A_321 : i32
        %lt3A_323 = arith.constant 32 : i32
        %lt3A_324 = arith.cmpi slt, %while3A_296, %lt3A_323 : i32
        %or3A = arith.ori %lt3A_322, %lt3A_324 : i1
        %lt3A_325 = arith.constant 256 : i32
        %lt3A_326 = arith.cmpi slt, %while3A_294, %lt3A_325 : i32
        %and3A_327 = arith.andi %lt3A_326, %or3A : i1
        scf.condition(%and3A_327) %while3A_294, %while3A_295, %while3A_296, %while3A_297, %while3A_298, %while3A_299, %while3A_300, %while3A_301, %while3A_302, %while3A_303, %while3A_304, %while3A_305, %while3A_306, %while3A_307, %while3A_308, %while3A_309, %while3A_310, %while3A_311, %while3A_312, %while3A_313, %while3A_314, %while3A_315, %while3A_316, %while3A_317, %while3A_318, %while3A_319, %while3A_320 : i32, i32, i32, vector<16xf32>, vector<16xf32>, vector<16xf32>, vector<16xf32>, vector<16xf32>, vector<16xf32>, vector<16xf32>, vector<16xf32>, vector<16xf32>, vector<16xf32>, vector<16xf32>, vector<16xf32>, vector<16xf32>, vector<16xf32>, vector<16xf32>, vector<16xf32>, vector<16xf32>, vector<16xf32>, vector<16xf32>, vector<16xf32>, vector<16xf32>, vector<16xf32>, vector<16xf32>, vector<16xf32>
      } do {
      ^bb0(%while3A_294: i32, %while3A_295: i32, %while3A_296: i32, %while3A_297: vector<16xf32>, %while3A_298: vector<16xf32>, %while3A_299: vector<16xf32>, %while3A_300: vector<16xf32>, %while3A_301: vector<16xf32>, %while3A_302: vector<16xf32>, %while3A_303: vector<16xf32>, %while3A_304: vector<16xf32>, %while3A_305: vector<16xf32>, %while3A_306: vector<16xf32>, %while3A_307: vector<16xf32>, %while3A_308: vector<16xf32>, %while3A_309: vector<16xf32>, %while3A_310: vector<16xf32>, %while3A_311: vector<16xf32>, %while3A_312: vector<16xf32>, %while3A_313: vector<16xf32>, %while3A_314: vector<16xf32>, %while3A_315: vector<16xf32>, %while3A_316: vector<16xf32>, %while3A_317: vector<16xf32>, %while3A_318: vector<16xf32>, %while3A_319: vector<16xf32>, %while3A_320: vector<16xf32>):
        %mul3A_321 = arith.constant 16 : i32
        %mul3A_322 = arith.muli %while3A_294, %mul3A_321 : i32
        %add3A_323 = arith.constant 64 : i32
        %add3A_324 = arith.addi %mul3A_322, %add3A_323 : i32
        %add3A_325 = arith.constant 0 : i32
        %add3A_326 = arith.addi %add3A_324, %add3A_325 : i32
        %get3A_327 = arith.index_cast %add3A_326 : i32 to index
        %get3A_328 = tpu.vector_load %arg5[%get3A_327] {strides = array<i32>} : memref<4160xf32, #tpu.memory_space<vmem>>, vector<16xf32>,
        %get3A_329 = arith.index_cast %add3A_326 : i32 to index
        %get3A_330 = tpu.vector_load %arg6[%get3A_329] {strides = array<i32>} : memref<4160xf32, #tpu.memory_space<vmem>>, vector<16xf32>,
        %get3A_331 = arith.index_cast %add3A_326 : i32 to index
        %get3A_332 = tpu.vector_load %arg7[%get3A_331] {strides = array<i32>} : memref<4160xf32, #tpu.memory_space<vmem>>, vector<16xf32>,
        %get3A_333 = arith.index_cast %add3A_326 : i32 to index
        %get3A_334 = tpu.vector_load %arg8[%get3A_333] {strides = array<i32>} : memref<4160xf32, #tpu.memory_space<vmem>>, vector<16xf32>,
        %add3A_335 = arith.constant 16 : i32
        %add3A_336 = arith.addi %add3A_324, %add3A_335 : i32
        %get3A_337 = arith.index_cast %add3A_336 : i32 to index
        %get3A_338 = tpu.vector_load %arg5[%get3A_337] {strides = array<i32>} : memref<4160xf32, #tpu.memory_space<vmem>>, vector<16xf32>,
        %get3A_339 = arith.index_cast %add3A_336 : i32 to index
        %get3A_340 = tpu.vector_load %arg6[%get3A_339] {strides = array<i32>} : memref<4160xf32, #tpu.memory_space<vmem>>, vector<16xf32>,
        %get3A_341 = arith.index_cast %add3A_336 : i32 to index
        %get3A_342 = tpu.vector_load %arg7[%get3A_341] {strides = array<i32>} : memref<4160xf32, #tpu.memory_space<vmem>>, vector<16xf32>,
        %get3A_343 = arith.index_cast %add3A_336 : i32 to index
        %get3A_344 = tpu.vector_load %arg8[%get3A_343] {strides = array<i32>} : memref<4160xf32, #tpu.memory_space<vmem>>, vector<16xf32>,
        %add3A_345 = arith.constant 32 : i32
        %add3A_346 = arith.addi %add3A_324, %add3A_345 : i32
        %get3A_347 = arith.index_cast %add3A_346 : i32 to index
        %get3A_348 = tpu.vector_load %arg5[%get3A_347] {strides = array<i32>} : memref<4160xf32, #tpu.memory_space<vmem>>, vector<16xf32>,
        %get3A_349 = arith.index_cast %add3A_346 : i32 to index
        %get3A_350 = tpu.vector_load %arg6[%get3A_349] {strides = array<i32>} : memref<4160xf32, #tpu.memory_space<vmem>>, vector<16xf32>,
        %get3A_351 = arith.index_cast %add3A_346 : i32 to index
        %get3A_352 = tpu.vector_load %arg7[%get3A_351] {strides = array<i32>} : memref<4160xf32, #tpu.memory_space<vmem>>, vector<16xf32>,
        %get3A_353 = arith.index_cast %add3A_346 : i32 to index
        %get3A_354 = tpu.vector_load %arg8[%get3A_353] {strides = array<i32>} : memref<4160xf32, #tpu.memory_space<vmem>>, vector<16xf32>,
        %add3A_355 = arith.constant 48 : i32
        %add3A_356 = arith.addi %add3A_324, %add3A_355 : i32
        %get3A_357 = arith.index_cast %add3A_356 : i32 to index
        %get3A_358 = tpu.vector_load %arg5[%get3A_357] {strides = array<i32>} : memref<4160xf32, #tpu.memory_space<vmem>>, vector<16xf32>,
        %get3A_359 = arith.index_cast %add3A_356 : i32 to index
        %get3A_360 = tpu.vector_load %arg6[%get3A_359] {strides = array<i32>} : memref<4160xf32, #tpu.memory_space<vmem>>, vector<16xf32>,
        %get3A_361 = arith.index_cast %add3A_356 : i32 to index
        %get3A_362 = tpu.vector_load %arg7[%get3A_361] {strides = array<i32>} : memref<4160xf32, #tpu.memory_space<vmem>>, vector<16xf32>,
        %get3A_363 = arith.index_cast %add3A_356 : i32 to index
        %get3A_364 = tpu.vector_load %arg8[%get3A_363] {strides = array<i32>} : memref<4160xf32, #tpu.memory_space<vmem>>, vector<16xf32>,
        %mul3A_365 = vector.broadcast %squeeze3A : f32 to vector<16xf32>
        %mul3A_366 = arith.mulf %mul3A_365, %while3A_297 : vector<16xf32>
        %mul3A_367 = vector.broadcast %squeeze3A_93 : f32 to vector<16xf32>
        %mul3A_368 = arith.mulf %mul3A_367, %while3A_298 : vector<16xf32>
        %add3A_369 = arith.addf %mul3A_366, %mul3A_368 : vector<16xf32>
        %mul3A_370 = vector.broadcast %squeeze3A_101 : f32 to vector<16xf32>
        %mul3A_371 = arith.mulf %mul3A_370, %while3A_299 : vector<16xf32>
        %add3A_372 = arith.addf %add3A_369, %mul3A_371 : vector<16xf32>
        %add3A_373 = vector.broadcast %squeeze3A_109 : f32 to vector<16xf32>
        %add3A_374 = arith.addf %add3A_372, %add3A_373 : vector<16xf32>
        %add3A_375 = arith.addf %add3A_374, %while3A_300 : vector<16xf32>
        %mul3A_376 = vector.broadcast %squeeze3A_89 : f32 to vector<16xf32>
        %mul3A_377 = arith.mulf %mul3A_376, %while3A_297 : vector<16xf32>
        %mul3A_378 = vector.broadcast %squeeze3A_97 : f32 to vector<16xf32>
        %mul3A_379 = arith.mulf %mul3A_378, %while3A_298 : vector<16xf32>
        %add3A_380 = arith.addf %mul3A_377, %mul3A_379 : vector<16xf32>
        %mul3A_381 = vector.broadcast %squeeze3A_105 : f32 to vector<16xf32>
        %mul3A_382 = arith.mulf %mul3A_381, %while3A_299 : vector<16xf32>
        %add3A_383 = arith.addf %add3A_380, %mul3A_382 : vector<16xf32>
        %add3A_384 = vector.broadcast %squeeze3A_113 : f32 to vector<16xf32>
        %add3A_385 = arith.addf %add3A_383, %add3A_384 : vector<16xf32>
        %add3A_386 = arith.addf %add3A_385, %while3A_300 : vector<16xf32>
        %mul3A_387 = vector.broadcast %squeeze3A : f32 to vector<16xf32>
        %mul3A_388 = arith.mulf %mul3A_387, %while3A_301 : vector<16xf32>
        %mul3A_389 = vector.broadcast %squeeze3A_93 : f32 to vector<16xf32>
        %mul3A_390 = arith.mulf %mul3A_389, %while3A_302 : vector<16xf32>
        %add3A_391 = arith.addf %mul3A_388, %mul3A_390 : vector<16xf32>
        %mul3A_392 = vector.broadcast %squeeze3A_101 : f32 to vector<16xf32>
        %mul3A_393 = arith.mulf %mul3A_392, %while3A_303 : vector<16xf32>
        %add3A_394 = arith.addf %add3A_391, %mul3A_393 : vector<16xf32>
        %add3A_395 = vector.broadcast %squeeze3A_109 : f32 to vector<16xf32>
        %add3A_396 = arith.addf %add3A_394, %add3A_395 : vector<16xf32>
        %add3A_397 = arith.addf %add3A_396, %while3A_304 : vector<16xf32>
        %mul3A_398 = vector.broadcast %squeeze3A_89 : f32 to vector<16xf32>
        %mul3A_399 = arith.mulf %mul3A_398, %while3A_301 : vector<16xf32>
        %mul3A_400 = vector.broadcast %squeeze3A_97 : f32 to vector<16xf32>
        %mul3A_401 = arith.mulf %mul3A_400, %while3A_302 : vector<16xf32>
        %add3A_402 = arith.addf %mul3A_399, %mul3A_401 : vector<16xf32>
        %mul3A_403 = vector.broadcast %squeeze3A_105 : f32 to vector<16xf32>
        %mul3A_404 = arith.mulf %mul3A_403, %while3A_303 : vector<16xf32>
        %add3A_405 = arith.addf %add3A_402, %mul3A_404 : vector<16xf32>
        %add3A_406 = vector.broadcast %squeeze3A_113 : f32 to vector<16xf32>
        %add3A_407 = arith.addf %add3A_405, %add3A_406 : vector<16xf32>
        %add3A_408 = arith.addf %add3A_407, %while3A_304 : vector<16xf32>
        %mul3A_409 = vector.broadcast %squeeze3A : f32 to vector<16xf32>
        %mul3A_410 = arith.mulf %mul3A_409, %while3A_305 : vector<16xf32>
        %mul3A_411 = vector.broadcast %squeeze3A_93 : f32 to vector<16xf32>
        %mul3A_412 = arith.mulf %mul3A_411, %while3A_306 : vector<16xf32>
        %add3A_413 = arith.addf %mul3A_410, %mul3A_412 : vector<16xf32>
        %mul3A_414 = vector.broadcast %squeeze3A_101 : f32 to vector<16xf32>
        %mul3A_415 = arith.mulf %mul3A_414, %while3A_307 : vector<16xf32>
        %add3A_416 = arith.addf %add3A_413, %mul3A_415 : vector<16xf32>
        %add3A_417 = vector.broadcast %squeeze3A_109 : f32 to vector<16xf32>
        %add3A_418 = arith.addf %add3A_416, %add3A_417 : vector<16xf32>
        %add3A_419 = arith.addf %add3A_418, %while3A_308 : vector<16xf32>
        %mul3A_420 = vector.broadcast %squeeze3A_89 : f32 to vector<16xf32>
        %mul3A_421 = arith.mulf %mul3A_420, %while3A_305 : vector<16xf32>
        %mul3A_422 = vector.broadcast %squeeze3A_97 : f32 to vector<16xf32>
        %mul3A_423 = arith.mulf %mul3A_422, %while3A_306 : vector<16xf32>
        %add3A_424 = arith.addf %mul3A_421, %mul3A_423 : vector<16xf32>
        %mul3A_425 = vector.broadcast %squeeze3A_105 : f32 to vector<16xf32>
        %mul3A_426 = arith.mulf %mul3A_425, %while3A_307 : vector<16xf32>
        %add3A_427 = arith.addf %add3A_424, %mul3A_426 : vector<16xf32>
        %add3A_428 = vector.broadcast %squeeze3A_113 : f32 to vector<16xf32>
        %add3A_429 = arith.addf %add3A_427, %add3A_428 : vector<16xf32>
        %add3A_430 = arith.addf %add3A_429, %while3A_308 : vector<16xf32>
        %mul3A_431 = vector.broadcast %squeeze3A : f32 to vector<16xf32>
        %mul3A_432 = arith.mulf %mul3A_431, %while3A_309 : vector<16xf32>
        %mul3A_433 = vector.broadcast %squeeze3A_93 : f32 to vector<16xf32>
        %mul3A_434 = arith.mulf %mul3A_433, %while3A_310 : vector<16xf32>
        %add3A_435 = arith.addf %mul3A_432, %mul3A_434 : vector<16xf32>
        %mul3A_436 = vector.broadcast %squeeze3A_101 : f32 to vector<16xf32>
        %mul3A_437 = arith.mulf %mul3A_436, %while3A_311 : vector<16xf32>
        %add3A_438 = arith.addf %add3A_435, %mul3A_437 : vector<16xf32>
        %add3A_439 = vector.broadcast %squeeze3A_109 : f32 to vector<16xf32>
        %add3A_440 = arith.addf %add3A_438, %add3A_439 : vector<16xf32>
        %add3A_441 = arith.addf %add3A_440, %while3A_312 : vector<16xf32>
        %mul3A_442 = vector.broadcast %squeeze3A_89 : f32 to vector<16xf32>
        %mul3A_443 = arith.mulf %mul3A_442, %while3A_309 : vector<16xf32>
        %mul3A_444 = vector.broadcast %squeeze3A_97 : f32 to vector<16xf32>
        %mul3A_445 = arith.mulf %mul3A_444, %while3A_310 : vector<16xf32>
        %add3A_446 = arith.addf %mul3A_443, %mul3A_445 : vector<16xf32>
        %mul3A_447 = vector.broadcast %squeeze3A_105 : f32 to vector<16xf32>
        %mul3A_448 = arith.mulf %mul3A_447, %while3A_311 : vector<16xf32>
        %add3A_449 = arith.addf %add3A_446, %mul3A_448 : vector<16xf32>
        %add3A_450 = vector.broadcast %squeeze3A_113 : f32 to vector<16xf32>
        %add3A_451 = arith.addf %add3A_449, %add3A_450 : vector<16xf32>
        %add3A_452 = arith.addf %add3A_451, %while3A_312 : vector<16xf32>
        %sub3A_453 = arith.constant 64 : i32
        %sub3A_454 = arith.subi %mul3A_322, %sub3A_453 : i32
        %le3A_455 = arith.constant 4.000000e-02 : f32
        %le3A_456 = vector.broadcast %le3A_455 : f32 to vector<16xf32>
        %le3A_457 = arith.cmpf ole, %while3A_313, %le3A_456 : vector<16xf32>
        %le3A_458 = arith.constant 4.000000e-02 : f32
        %le3A_459 = vector.broadcast %le3A_458 : f32 to vector<16xf32>
        %le3A_460 = arith.cmpf ole, %while3A_315, %le3A_459 : vector<16xf32>
        %le3A_461 = arith.constant 4.000000e-02 : f32
        %le3A_462 = vector.broadcast %le3A_461 : f32 to vector<16xf32>
        %le3A_463 = arith.cmpf ole, %while3A_317, %le3A_462 : vector<16xf32>
        %le3A_464 = arith.constant 4.000000e-02 : f32
        %le3A_465 = vector.broadcast %le3A_464 : f32 to vector<16xf32>
        %le3A_466 = arith.cmpf ole, %while3A_319, %le3A_465 : vector<16xf32>
        %le3A_467 = arith.constant 4.000000e-02 : f32
        %le3A_468 = vector.broadcast %le3A_467 : f32 to vector<16xf32>
        %le3A_469 = arith.cmpf ole, %while3A_314, %le3A_468 : vector<16xf32>
        %le3A_470 = arith.constant 4.000000e-02 : f32
        %le3A_471 = vector.broadcast %le3A_470 : f32 to vector<16xf32>
        %le3A_472 = arith.cmpf ole, %while3A_316, %le3A_471 : vector<16xf32>
        %le3A_473 = arith.constant 4.000000e-02 : f32
        %le3A_474 = vector.broadcast %le3A_473 : f32 to vector<16xf32>
        %le3A_475 = arith.cmpf ole, %while3A_318, %le3A_474 : vector<16xf32>
        %le3A_476 = arith.constant 4.000000e-02 : f32
        %le3A_477 = vector.broadcast %le3A_476 : f32 to vector<16xf32>
        %le3A_478 = arith.cmpf ole, %while3A_320, %le3A_477 : vector<16xf32>
        %add3A_479 = arith.constant 0 : i32
        %add3A_480 = arith.addi %sub3A_454, %add3A_479 : i32
        %add3A_481 = vector.broadcast %add3A_480 : i32 to vector<16xi32>
        %add3A_482 = arith.addi %iota3A, %add3A_481 : vector<16xi32>
        %add3A_483 = arith.constant 16 : i32
        %add3A_484 = arith.addi %sub3A_454, %add3A_483 : i32
        %add3A_485 = vector.broadcast %add3A_484 : i32 to vector<16xi32>
        %add3A_486 = arith.addi %iota3A, %add3A_485 : vector<16xi32>
        %add3A_487 = arith.constant 32 : i32
        %add3A_488 = arith.addi %sub3A_454, %add3A_487 : i32
        %add3A_489 = vector.broadcast %add3A_488 : i32 to vector<16xi32>
        %add3A_490 = arith.addi %iota3A, %add3A_489 : vector<16xi32>
        %add3A_491 = arith.constant 48 : i32
        %add3A_492 = arith.addi %sub3A_454, %add3A_491 : i32
        %add3A_493 = vector.broadcast %add3A_492 : i32 to vector<16xi32>
        %add3A_494 = arith.addi %iota3A, %add3A_493 : vector<16xi32>
        %all_reduce_population_count3A_495 = tpu.all_reduce %le3A_457 {dim = 0 : i64, kind = #tpu.reduction_kind<sum>} : vector<16xi1> -> vector<16xi32>
        %slice3A_496 = vector.extract_strided_slice %all_reduce_population_count3A_495 {offsets = [0], sizes = [1], strides = [1]} : vector<16xi32> to vector<1xi32>
        %squeeze3A_497 = vector.extract %slice3A_496[0] : i32 from vector<1xi32>
        %all_reduce_population_count3A_498 = tpu.all_reduce %le3A_460 {dim = 0 : i64, kind = #tpu.reduction_kind<sum>} : vector<16xi1> -> vector<16xi32>
        %slice3A_499 = vector.extract_strided_slice %all_reduce_population_count3A_498 {offsets = [0], sizes = [1], strides = [1]} : vector<16xi32> to vector<1xi32>
        %squeeze3A_500 = vector.extract %slice3A_499[0] : i32 from vector<1xi32>
        %all_reduce_population_count3A_501 = tpu.all_reduce %le3A_463 {dim = 0 : i64, kind = #tpu.reduction_kind<sum>} : vector<16xi1> -> vector<16xi32>
        %slice3A_502 = vector.extract_strided_slice %all_reduce_population_count3A_501 {offsets = [0], sizes = [1], strides = [1]} : vector<16xi32> to vector<1xi32>
        %squeeze3A_503 = vector.extract %slice3A_502[0] : i32 from vector<1xi32>
        %all_reduce_population_count3A_504 = tpu.all_reduce %le3A_466 {dim = 0 : i64, kind = #tpu.reduction_kind<sum>} : vector<16xi1> -> vector<16xi32>
        %slice3A_505 = vector.extract_strided_slice %all_reduce_population_count3A_504 {offsets = [0], sizes = [1], strides = [1]} : vector<16xi32> to vector<1xi32>
        %squeeze3A_506 = vector.extract %slice3A_505[0] : i32 from vector<1xi32>
        %all_reduce_population_count3A_507 = tpu.all_reduce %le3A_469 {dim = 0 : i64, kind = #tpu.reduction_kind<sum>} : vector<16xi1> -> vector<16xi32>
        %slice3A_508 = vector.extract_strided_slice %all_reduce_population_count3A_507 {offsets = [0], sizes = [1], strides = [1]} : vector<16xi32> to vector<1xi32>
        %squeeze3A_509 = vector.extract %slice3A_508[0] : i32 from vector<1xi32>
        %all_reduce_population_count3A_510 = tpu.all_reduce %le3A_472 {dim = 0 : i64, kind = #tpu.reduction_kind<sum>} : vector<16xi1> -> vector<16xi32>
        %slice3A_511 = vector.extract_strided_slice %all_reduce_population_count3A_510 {offsets = [0], sizes = [1], strides = [1]} : vector<16xi32> to vector<1xi32>
        %squeeze3A_512 = vector.extract %slice3A_511[0] : i32 from vector<1xi32>
        %all_reduce_population_count3A_513 = tpu.all_reduce %le3A_475 {dim = 0 : i64, kind = #tpu.reduction_kind<sum>} : vector<16xi1> -> vector<16xi32>
        %slice3A_514 = vector.extract_strided_slice %all_reduce_population_count3A_513 {offsets = [0], sizes = [1], strides = [1]} : vector<16xi32> to vector<1xi32>
        %squeeze3A_515 = vector.extract %slice3A_514[0] : i32 from vector<1xi32>
        %all_reduce_population_count3A_516 = tpu.all_reduce %le3A_478 {dim = 0 : i64, kind = #tpu.reduction_kind<sum>} : vector<16xi1> -> vector<16xi32>
        %slice3A_517 = vector.extract_strided_slice %all_reduce_population_count3A_516 {offsets = [0], sizes = [1], strides = [1]} : vector<16xi32> to vector<1xi32>
        %squeeze3A_518 = vector.extract %slice3A_517[0] : i32 from vector<1xi32>
        %swap3A_519 = arith.index_cast %while3A_295 : i32 to index
        %swap3A_520 = tpu.vector_load %arg14[%swap3A_519] masked %le3A_457 {strides = array<i32>} : memref<4160xi32, #tpu.memory_space<vmem>>, vector<16xi32>, vector<16xi1>
        tpu.vector_store %arg14[%swap3A_519], %add3A_482 masked %le3A_457 {strides = array<i32>} : memref<4160xi32, #tpu.memory_space<vmem>>, vector<16xi32>, vector<16xi1>
        %add3A_521 = arith.addi %while3A_295, %squeeze3A_497 : i32
        %swap3A_522 = arith.index_cast %add3A_521 : i32 to index
        %swap3A_523 = tpu.vector_load %arg14[%swap3A_522] masked %le3A_460 {strides = array<i32>} : memref<4160xi32, #tpu.memory_space<vmem>>, vector<16xi32>, vector<16xi1>
        tpu.vector_store %arg14[%swap3A_522], %add3A_486 masked %le3A_460 {strides = array<i32>} : memref<4160xi32, #tpu.memory_space<vmem>>, vector<16xi32>, vector<16xi1>
        %add3A_524 = arith.addi %add3A_521, %squeeze3A_500 : i32
        %swap3A_525 = arith.index_cast %add3A_524 : i32 to index
        %swap3A_526 = tpu.vector_load %arg14[%swap3A_525] masked %le3A_463 {strides = array<i32>} : memref<4160xi32, #tpu.memory_space<vmem>>, vector<16xi32>, vector<16xi1>
        tpu.vector_store %arg14[%swap3A_525], %add3A_490 masked %le3A_463 {strides = array<i32>} : memref<4160xi32, #tpu.memory_space<vmem>>, vector<16xi32>, vector<16xi1>
        %add3A_527 = arith.addi %add3A_524, %squeeze3A_503 : i32
        %swap3A_528 = arith.index_cast %add3A_527 : i32 to index
        %swap3A_529 = tpu.vector_load %arg14[%swap3A_528] masked %le3A_466 {strides = array<i32>} : memref<4160xi32, #tpu.memory_space<vmem>>, vector<16xi32>, vector<16xi1>
        tpu.vector_store %arg14[%swap3A_528], %add3A_494 masked %le3A_466 {strides = array<i32>} : memref<4160xi32, #tpu.memory_space<vmem>>, vector<16xi32>, vector<16xi1>
        %add3A_530 = arith.addi %add3A_527, %squeeze3A_506 : i32
        %swap3A_531 = arith.index_cast %while3A_296 : i32 to index
        %swap3A_532 = tpu.vector_load %arg15[%swap3A_531] masked %le3A_469 {strides = array<i32>} : memref<4160xi32, #tpu.memory_space<vmem>>, vector<16xi32>, vector<16xi1>
        tpu.vector_store %arg15[%swap3A_531], %add3A_482 masked %le3A_469 {strides = array<i32>} : memref<4160xi32, #tpu.memory_space<vmem>>, vector<16xi32>, vector<16xi1>
        %add3A_533 = arith.addi %while3A_296, %squeeze3A_509 : i32
        %swap3A_534 = arith.index_cast %add3A_533 : i32 to index
        %swap3A_535 = tpu.vector_load %arg15[%swap3A_534] masked %le3A_472 {strides = array<i32>} : memref<4160xi32, #tpu.memory_space<vmem>>, vector<16xi32>, vector<16xi1>
        tpu.vector_store %arg15[%swap3A_534], %add3A_486 masked %le3A_472 {strides = array<i32>} : memref<4160xi32, #tpu.memory_space<vmem>>, vector<16xi32>, vector<16xi1>
        %add3A_536 = arith.addi %add3A_533, %squeeze3A_512 : i32
        %swap3A_537 = arith.index_cast %add3A_536 : i32 to index
        %swap3A_538 = tpu.vector_load %arg15[%swap3A_537] masked %le3A_475 {strides = array<i32>} : memref<4160xi32, #tpu.memory_space<vmem>>, vector<16xi32>, vector<16xi1>
        tpu.vector_store %arg15[%swap3A_537], %add3A_490 masked %le3A_475 {strides = array<i32>} : memref<4160xi32, #tpu.memory_space<vmem>>, vector<16xi32>, vector<16xi1>
        %add3A_539 = arith.addi %add3A_536, %squeeze3A_515 : i32
        %swap3A_540 = arith.index_cast %add3A_539 : i32 to index
        %swap3A_541 = tpu.vector_load %arg15[%swap3A_540] masked %le3A_478 {strides = array<i32>} : memref<4160xi32, #tpu.memory_space<vmem>>, vector<16xi32>, vector<16xi1>
        tpu.vector_store %arg15[%swap3A_540], %add3A_494 masked %le3A_478 {strides = array<i32>} : memref<4160xi32, #tpu.memory_space<vmem>>, vector<16xi32>, vector<16xi1>
        %add3A_542 = arith.addi %add3A_539, %squeeze3A_518 : i32
        %add3A_543 = arith.constant 4 : i32
        %add3A_544 = arith.addi %while3A_294, %add3A_543 : i32
        scf.yield %add3A_544, %add3A_530, %add3A_542, %get3A_328, %get3A_330, %get3A_332, %get3A_334, %get3A_338, %get3A_340, %get3A_342, %get3A_344, %get3A_348, %get3A_350, %get3A_352, %get3A_354, %get3A_358, %get3A_360, %get3A_362, %get3A_364, %add3A_375, %add3A_386, %add3A_397, %add3A_408, %add3A_419, %add3A_430, %add3A_441, %add3A_452 : i32, i32, i32, vector<16xf32>, vector<16xf32>, vector<16xf32>, vector<16xf32>, vector<16xf32>, vector<16xf32>, vector<16xf32>, vector<16xf32>, vector<16xf32>, vector<16xf32>, vector<16xf32>, vector<16xf32>, vector<16xf32>, vector<16xf32>, vector<16xf32>, vector<16xf32>, vector<16xf32>, vector<16xf32>, vector<16xf32>, vector<16xf32>, vector<16xf32>, vector<16xf32>, vector<16xf32>, vector<16xf32>
      }
      %mul3A_150 = arith.constant 16 : i32
      %mul3A_151 = arith.muli %while3A_149#0, %mul3A_150 : i32
      %sub3A_152 = arith.constant 64 : i32
      %sub3A_153 = arith.subi %mul3A_151, %sub3A_152 : i32
      %le3A = arith.constant 4.000000e-02 : f32
      %le3A_154 = vector.broadcast %le3A : f32 to vector<16xf32>
      %le3A_155 = arith.cmpf ole, %while3A_149#19, %le3A_154 : vector<16xf32>
      %le3A_156 = arith.constant 4.000000e-02 : f32
      %le3A_157 = vector.broadcast %le3A_156 : f32 to vector<16xf32>
      %le3A_158 = arith.cmpf ole, %while3A_149#21, %le3A_157 : vector<16xf32>
      %le3A_159 = arith.constant 4.000000e-02 : f32
      %le3A_160 = vector.broadcast %le3A_159 : f32 to vector<16xf32>
      %le3A_161 = arith.cmpf ole, %while3A_149#23, %le3A_160 : vector<16xf32>
      %le3A_162 = arith.constant 4.000000e-02 : f32
      %le3A_163 = vector.broadcast %le3A_162 : f32 to vector<16xf32>
      %le3A_164 = arith.cmpf ole, %while3A_149#25, %le3A_163 : vector<16xf32>
      %le3A_165 = arith.constant 4.000000e-02 : f32
      %le3A_166 = vector.broadcast %le3A_165 : f32 to vector<16xf32>
      %le3A_167 = arith.cmpf ole, %while3A_149#20, %le3A_166 : vector<16xf32>
      %le3A_168 = arith.constant 4.000000e-02 : f32
      %le3A_169 = vector.broadcast %le3A_168 : f32 to vector<16xf32>
      %le3A_170 = arith.cmpf ole, %while3A_149#22, %le3A_169 : vector<16xf32>
      %le3A_171 = arith.constant 4.000000e-02 : f32
      %le3A_172 = vector.broadcast %le3A_171 : f32 to vector<16xf32>
      %le3A_173 = arith.cmpf ole, %while3A_149#24, %le3A_172 : vector<16xf32>
      %le3A_174 = arith.constant 4.000000e-02 : f32
      %le3A_175 = vector.broadcast %le3A_174 : f32 to vector<16xf32>
      %le3A_176 = arith.cmpf ole, %while3A_149#26, %le3A_175 : vector<16xf32>
      %add3A_177 = arith.constant 0 : i32
      %add3A_178 = arith.addi %sub3A_153, %add3A_177 : i32
      %add3A_179 = vector.broadcast %add3A_178 : i32 to vector<16xi32>
      %add3A_180 = arith.addi %iota3A, %add3A_179 : vector<16xi32>
      %add3A_181 = arith.constant 16 : i32
      %add3A_182 = arith.addi %sub3A_153, %add3A_181 : i32
      %add3A_183 = vector.broadcast %add3A_182 : i32 to vector<16xi32>
      %add3A_184 = arith.addi %iota3A, %add3A_183 : vector<16xi32>
      %add3A_185 = arith.constant 32 : i32
      %add3A_186 = arith.addi %sub3A_153, %add3A_185 : i32
      %add3A_187 = vector.broadcast %add3A_186 : i32 to vector<16xi32>
      %add3A_188 = arith.addi %iota3A, %add3A_187 : vector<16xi32>
      %add3A_189 = arith.constant 48 : i32
      %add3A_190 = arith.addi %sub3A_153, %add3A_189 : i32
      %add3A_191 = vector.broadcast %add3A_190 : i32 to vector<16xi32>
      %add3A_192 = arith.addi %iota3A, %add3A_191 : vector<16xi32>
      %all_reduce_population_count3A = tpu.all_reduce %le3A_155 {dim = 0 : i64, kind = #tpu.reduction_kind<sum>} : vector<16xi1> -> vector<16xi32>
      %slice3A_193 = vector.extract_strided_slice %all_reduce_population_count3A {offsets = [0], sizes = [1], strides = [1]} : vector<16xi32> to vector<1xi32>
      %squeeze3A_194 = vector.extract %slice3A_193[0] : i32 from vector<1xi32>
      %all_reduce_population_count3A_195 = tpu.all_reduce %le3A_158 {dim = 0 : i64, kind = #tpu.reduction_kind<sum>} : vector<16xi1> -> vector<16xi32>
      %slice3A_196 = vector.extract_strided_slice %all_reduce_population_count3A_195 {offsets = [0], sizes = [1], strides = [1]} : vector<16xi32> to vector<1xi32>
      %squeeze3A_197 = vector.extract %slice3A_196[0] : i32 from vector<1xi32>
      %all_reduce_population_count3A_198 = tpu.all_reduce %le3A_161 {dim = 0 : i64, kind = #tpu.reduction_kind<sum>} : vector<16xi1> -> vector<16xi32>
      %slice3A_199 = vector.extract_strided_slice %all_reduce_population_count3A_198 {offsets = [0], sizes = [1], strides = [1]} : vector<16xi32> to vector<1xi32>
      %squeeze3A_200 = vector.extract %slice3A_199[0] : i32 from vector<1xi32>
      %all_reduce_population_count3A_201 = tpu.all_reduce %le3A_164 {dim = 0 : i64, kind = #tpu.reduction_kind<sum>} : vector<16xi1> -> vector<16xi32>
      %slice3A_202 = vector.extract_strided_slice %all_reduce_population_count3A_201 {offsets = [0], sizes = [1], strides = [1]} : vector<16xi32> to vector<1xi32>
      %squeeze3A_203 = vector.extract %slice3A_202[0] : i32 from vector<1xi32>
      %all_reduce_population_count3A_204 = tpu.all_reduce %le3A_167 {dim = 0 : i64, kind = #tpu.reduction_kind<sum>} : vector<16xi1> -> vector<16xi32>
      %slice3A_205 = vector.extract_strided_slice %all_reduce_population_count3A_204 {offsets = [0], sizes = [1], strides = [1]} : vector<16xi32> to vector<1xi32>
      %squeeze3A_206 = vector.extract %slice3A_205[0] : i32 from vector<1xi32>
      %all_reduce_population_count3A_207 = tpu.all_reduce %le3A_170 {dim = 0 : i64, kind = #tpu.reduction_kind<sum>} : vector<16xi1> -> vector<16xi32>
      %slice3A_208 = vector.extract_strided_slice %all_reduce_population_count3A_207 {offsets = [0], sizes = [1], strides = [1]} : vector<16xi32> to vector<1xi32>
      %squeeze3A_209 = vector.extract %slice3A_208[0] : i32 from vector<1xi32>
      %all_reduce_population_count3A_210 = tpu.all_reduce %le3A_173 {dim = 0 : i64, kind = #tpu.reduction_kind<sum>} : vector<16xi1> -> vector<16xi32>
      %slice3A_211 = vector.extract_strided_slice %all_reduce_population_count3A_210 {offsets = [0], sizes = [1], strides = [1]} : vector<16xi32> to vector<1xi32>
      %squeeze3A_212 = vector.extract %slice3A_211[0] : i32 from vector<1xi32>
      %all_reduce_population_count3A_213 = tpu.all_reduce %le3A_176 {dim = 0 : i64, kind = #tpu.reduction_kind<sum>} : vector<16xi1> -> vector<16xi32>
      %slice3A_214 = vector.extract_strided_slice %all_reduce_population_count3A_213 {offsets = [0], sizes = [1], strides = [1]} : vector<16xi32> to vector<1xi32>
      %squeeze3A_215 = vector.extract %slice3A_214[0] : i32 from vector<1xi32>
      %swap3A = arith.index_cast %while3A_149#1 : i32 to index
      %swap3A_216 = tpu.vector_load %arg14[%swap3A] masked %le3A_155 {strides = array<i32>} : memref<4160xi32, #tpu.memory_space<vmem>>, vector<16xi32>, vector<16xi1>
      tpu.vector_store %arg14[%swap3A], %add3A_180 masked %le3A_155 {strides = array<i32>} : memref<4160xi32, #tpu.memory_space<vmem>>, vector<16xi32>, vector<16xi1>
      %add3A_217 = arith.addi %while3A_149#1, %squeeze3A_194 : i32
      %swap3A_218 = arith.index_cast %add3A_217 : i32 to index
      %swap3A_219 = tpu.vector_load %arg14[%swap3A_218] masked %le3A_158 {strides = array<i32>} : memref<4160xi32, #tpu.memory_space<vmem>>, vector<16xi32>, vector<16xi1>
      tpu.vector_store %arg14[%swap3A_218], %add3A_184 masked %le3A_158 {strides = array<i32>} : memref<4160xi32, #tpu.memory_space<vmem>>, vector<16xi32>, vector<16xi1>
      %add3A_220 = arith.addi %add3A_217, %squeeze3A_197 : i32
      %swap3A_221 = arith.index_cast %add3A_220 : i32 to index
      %swap3A_222 = tpu.vector_load %arg14[%swap3A_221] masked %le3A_161 {strides = array<i32>} : memref<4160xi32, #tpu.memory_space<vmem>>, vector<16xi32>, vector<16xi1>
      tpu.vector_store %arg14[%swap3A_221], %add3A_188 masked %le3A_161 {strides = array<i32>} : memref<4160xi32, #tpu.memory_space<vmem>>, vector<16xi32>, vector<16xi1>
      %add3A_223 = arith.addi %add3A_220, %squeeze3A_200 : i32
      %swap3A_224 = arith.index_cast %add3A_223 : i32 to index
      %swap3A_225 = tpu.vector_load %arg14[%swap3A_224] masked %le3A_164 {strides = array<i32>} : memref<4160xi32, #tpu.memory_space<vmem>>, vector<16xi32>, vector<16xi1>
      tpu.vector_store %arg14[%swap3A_224], %add3A_192 masked %le3A_164 {strides = array<i32>} : memref<4160xi32, #tpu.memory_space<vmem>>, vector<16xi32>, vector<16xi1>
      %add3A_226 = arith.addi %add3A_223, %squeeze3A_203 : i32
      %swap3A_227 = arith.index_cast %while3A_149#2 : i32 to index
      %swap3A_228 = tpu.vector_load %arg15[%swap3A_227] masked %le3A_167 {strides = array<i32>} : memref<4160xi32, #tpu.memory_space<vmem>>, vector<16xi32>, vector<16xi1>
      tpu.vector_store %arg15[%swap3A_227], %add3A_180 masked %le3A_167 {strides = array<i32>} : memref<4160xi32, #tpu.memory_space<vmem>>, vector<16xi32>, vector<16xi1>
      %add3A_229 = arith.addi %while3A_149#2, %squeeze3A_206 : i32
      %swap3A_230 = arith.index_cast %add3A_229 : i32 to index
      %swap3A_231 = tpu.vector_load %arg15[%swap3A_230] masked %le3A_170 {strides = array<i32>} : memref<4160xi32, #tpu.memory_space<vmem>>, vector<16xi32>, vector<16xi1>
      tpu.vector_store %arg15[%swap3A_230], %add3A_184 masked %le3A_170 {strides = array<i32>} : memref<4160xi32, #tpu.memory_space<vmem>>, vector<16xi32>, vector<16xi1>
      %add3A_232 = arith.addi %add3A_229, %squeeze3A_209 : i32
      %swap3A_233 = arith.index_cast %add3A_232 : i32 to index
      %swap3A_234 = tpu.vector_load %arg15[%swap3A_233] masked %le3A_173 {strides = array<i32>} : memref<4160xi32, #tpu.memory_space<vmem>>, vector<16xi32>, vector<16xi1>
      tpu.vector_store %arg15[%swap3A_233], %add3A_188 masked %le3A_173 {strides = array<i32>} : memref<4160xi32, #tpu.memory_space<vmem>>, vector<16xi32>, vector<16xi1>
      %add3A_235 = arith.addi %add3A_232, %squeeze3A_212 : i32
      %swap3A_236 = arith.index_cast %add3A_235 : i32 to index
      %swap3A_237 = tpu.vector_load %arg15[%swap3A_236] masked %le3A_176 {strides = array<i32>} : memref<4160xi32, #tpu.memory_space<vmem>>, vector<16xi32>, vector<16xi1>
      tpu.vector_store %arg15[%swap3A_236], %add3A_192 masked %le3A_176 {strides = array<i32>} : memref<4160xi32, #tpu.memory_space<vmem>>, vector<16xi32>, vector<16xi1>
      %add3A_238 = arith.addi %add3A_235, %squeeze3A_215 : i32
      %get3A_239 = arith.constant 0 : index
      %get3A_240 = tpu.vector_load %arg14[%get3A_239] {strides = array<i32>} : memref<4160xi32, #tpu.memory_space<vmem>>, vector<16xi32>,
      %get3A_241 = arith.constant 16 : index
      %get3A_242 = tpu.vector_load %arg14[%get3A_241] {strides = array<i32>} : memref<4160xi32, #tpu.memory_space<vmem>>, vector<16xi32>,
      %slice3A_243 = vector.extract_strided_slice %get3A_240 {offsets = [0], sizes = [1], strides = [1]} : vector<16xi32> to vector<1xi32>
      %squeeze3A_244 = vector.extract %slice3A_243[0] : i32 from vector<1xi32>
      %lt3A_245 = vector.broadcast %add3A_226 : i32 to vector<16xi32>
      %lt3A_246 = arith.cmpi slt, %iota3A, %lt3A_245 : vector<16xi32>
      %broadcast_in_dim3A_247 = vector.broadcast %squeeze3A_244 : i32 to vector<16xi32>
      %select_n3A_248 = arith.select %lt3A_246, %get3A_240, %broadcast_in_dim3A_247 : vector<16xi1>, vector<16xi32>
      %mul3A_249 = arith.constant 32 : i32
      %mul3A_250 = arith.muli %add3A_82, %mul3A_249 : i32
      %swap3A_251 = arith.index_cast %mul3A_250 : i32 to index
      %swap3A_252 = tpu.vector_load %arg18[%swap3A_251] {strides = array<i32>} : memref<4096xi32, #tpu.memory_space<vmem>>, vector<16xi32>,
      tpu.vector_store %arg18[%swap3A_251], %select_n3A_248 {strides = array<i32>} : memref<4096xi32, #tpu.memory_space<vmem>>, vector<16xi32>,
      %add3A_253 = arith.constant 16 : i32
      %add3A_254 = vector.broadcast %add3A_253 : i32 to vector<16xi32>
      %add3A_255 = arith.addi %iota3A, %add3A_254 : vector<16xi32>
      %lt3A_256 = vector.broadcast %add3A_226 : i32 to vector<16xi32>
      %lt3A_257 = arith.cmpi slt, %add3A_255, %lt3A_256 : vector<16xi32>
      %broadcast_in_dim3A_258 = vector.broadcast %squeeze3A_244 : i32 to vector<16xi32>
      %select_n3A_259 = arith.select %lt3A_257, %get3A_242, %broadcast_in_dim3A_258 : vector<16xi1>, vector<16xi32>
      %mul3A_260 = arith.constant 32 : i32
      %mul3A_261 = arith.muli %add3A_82, %mul3A_260 : i32
      %add3A_262 = arith.constant 16 : i32
      %add3A_263 = arith.addi %mul3A_261, %add3A_262 : i32
      %swap3A_264 = arith.index_cast %add3A_263 : i32 to index
      %swap3A_265 = tpu.vector_load %arg18[%swap3A_264] {strides = array<i32>} : memref<4096xi32, #tpu.memory_space<vmem>>, vector<16xi32>,
      tpu.vector_store %arg18[%swap3A_264], %select_n3A_259 {strides = array<i32>} : memref<4096xi32, #tpu.memory_space<vmem>>, vector<16xi32>,
      %get3A_266 = arith.constant 0 : index
      %get3A_267 = tpu.vector_load %arg15[%get3A_266] {strides = array<i32>} : memref<4160xi32, #tpu.memory_space<vmem>>, vector<16xi32>,
      %get3A_268 = arith.constant 16 : index
      %get3A_269 = tpu.vector_load %arg15[%get3A_268] {strides = array<i32>} : memref<4160xi32, #tpu.memory_space<vmem>>, vector<16xi32>,
      %slice3A_270 = vector.extract_strided_slice %get3A_267 {offsets = [0], sizes = [1], strides = [1]} : vector<16xi32> to vector<1xi32>
      %squeeze3A_271 = vector.extract %slice3A_270[0] : i32 from vector<1xi32>
      %lt3A_272 = vector.broadcast %add3A_238 : i32 to vector<16xi32>
      %lt3A_273 = arith.cmpi slt, %iota3A, %lt3A_272 : vector<16xi32>
      %broadcast_in_dim3A_274 = vector.broadcast %squeeze3A_271 : i32 to vector<16xi32>
      %select_n3A_275 = arith.select %lt3A_273, %get3A_267, %broadcast_in_dim3A_274 : vector<16xi1>, vector<16xi32>
      %mul3A_276 = arith.constant 32 : i32
      %mul3A_277 = arith.muli %add3A_84, %mul3A_276 : i32
      %swap3A_278 = arith.index_cast %mul3A_277 : i32 to index
      %swap3A_279 = tpu.vector_load %arg18[%swap3A_278] {strides = array<i32>} : memref<4096xi32, #tpu.memory_space<vmem>>, vector<16xi32>,
      tpu.vector_store %arg18[%swap3A_278], %select_n3A_275 {strides = array<i32>} : memref<4096xi32, #tpu.memory_space<vmem>>, vector<16xi32>,
      %add3A_280 = arith.constant 16 : i32
      %add3A_281 = vector.broadcast %add3A_280 : i32 to vector<16xi32>
      %add3A_282 = arith.addi %iota3A, %add3A_281 : vector<16xi32>
      %lt3A_283 = vector.broadcast %add3A_238 : i32 to vector<16xi32>
      %lt3A_284 = arith.cmpi slt, %add3A_282, %lt3A_283 : vector<16xi32>
      %broadcast_in_dim3A_285 = vector.broadcast %squeeze3A_271 : i32 to vector<16xi32>
      %select_n3A_286 = arith.select %lt3A_284, %get3A_269, %broadcast_in_dim3A_285 : vector<16xi1>, vector<16xi32>
      %mul3A_287 = arith.constant 32 : i32
      %mul3A_288 = arith.muli %add3A_84, %mul3A_287 : i32
      %add3A_289 = arith.constant 16 : i32
      %add3A_290 = arith.addi %mul3A_288, %add3A_289 : i32
      %swap3A_291 = arith.index_cast %add3A_290 : i32 to index
      %swap3A_292 = tpu.vector_load %arg18[%swap3A_291] {strides = array<i32>} : memref<4096xi32, #tpu.memory_space<vmem>>, vector<16xi32>,
      tpu.vector_store %arg18[%swap3A_291], %select_n3A_286 {strides = array<i32>} : memref<4096xi32, #tpu.memory_space<vmem>>, vector<16xi32>,
      %scan3A_293 = arith.constant 0 : i32
      scf.yield %scan3A_293 : i32
    }
    %scan3A_73 = arith.constant 64 : i32
    %mul3A_74 = arith.constant 512 : i32
    %mul3A_75 = arith.muli %select_n3A, %mul3A_74 : i32
    %add3A_76 = arith.addi %mul3A_75, %mul3A_32 : i32
    %mul3A_77 = arith.constant 32 : i32
    %mul3A_78 = arith.muli %add3A_76, %mul3A_77 : i32
    "tpu.region"() ({
      %run_scoped3A = tpu.sem_alloc : memref<!tpu.dma_semaphore, #tpu.memory_space<semaphore_mem>>
      %dma_start3A = tpu.memref_slice %arg4[%mul3A_78] : memref<131072xi32, #tpu.memory_space<hbm>> -> memref<4096xi32, #tpu.memory_space<hbm>>
      %dma_start3A_79 = tpu.memref_slice %arg4[%mul3A_78] : memref<131072xi32, #tpu.memory_space<hbm>> -> memref<4096xi32, #tpu.memory_space<hbm>>
      tpu.enqueue_dma source(%arg18 : memref<4096xi32, #tpu.memory_space<vmem>>) target(%dma_start3A_79 : memref<4096xi32, #tpu.memory_space<hbm>>) target_semaphore(%run_scoped3A : memref<!tpu.dma_semaphore, #tpu.memory_space<semaphore_mem>>)
      %dma_wait3A = tpu.memref_slice %arg4[%mul3A_78] : memref<131072xi32, #tpu.memory_space<hbm>> -> memref<4096xi32, #tpu.memory_space<hbm>>
      %dma_wait3A_80 = tpu.memref_slice %arg4[%mul3A_78] : memref<131072xi32, #tpu.memory_space<hbm>> -> memref<4096xi32, #tpu.memory_space<hbm>>
      tpu.wait_dma2 semaphore(%run_scoped3A : memref<!tpu.dma_semaphore, #tpu.memory_space<semaphore_mem>>) src(%arg18 : memref<4096xi32, #tpu.memory_space<vmem>>) dst(%dma_wait3A_80 : memref<4096xi32, #tpu.memory_space<hbm>>)
      tpu.yield
    }) : () -> ()
    return
  }
}

</mosaic_0001>

<sc_bundles>
// kernel: _ball_query.3.cloned.1.call-start
scs
__scs_entry_jumppad:
0x0: {  	(pc) =	sbr.rel $0x88, $3  }
0x1: {  	(tag) =	ssettag $0x0;
	lr =	simm.s32 $0x1  }
0x2: {  	[smem:$0x3F9F] =	sst lr;
	_ =	strace $0xD0000000  }
0x3: {  	_ = 	snop  }
0x4: {  	_ = 	snop  }
0x5: {  	_ = 	snop  }
0x6: {  	_ = 	snop  }
0x7: {  	_ = 	snop  }
__scs_overlays_trampoline_lowered:
0x8: {  	[smem:$0x3FAE] =	sst s0  }
0x9: {  	[smem:$0x3FAF] =	sst s1  }
0xa: {  	[smem:$0x3FB0] =	sst s2  }
0xb: {  	[smem:$0x3FB1] =	sst s3  }
0xc: {  	[smem:$0x3FB2] =	sst s4  }
0xd: {  	[smem:$0x3FB3] =	sst s5  }
0xe: {  	[smem:$0x3FB4] =	sst s6  }
0xf: {  	[smem:$0x3FB5] =	sst s7  }
0x10: {  	[smem:$0x3FB6] =	sst s8  }
0x11: {  	[smem:$0x3FB7] =	sst s9;
	s0 =	simm.s32 @!p0 $0x0  }
0x12: {  	s1 =	sld [smem:$0x3F9D];
	s0 =	simm.s32 @p0 $0x1  }
0x13: {  	[smem:$0x3FB8] =	sst s0;
	s0 =	simm.s32 @!p1 $0x0  }
0x14: {  	s2 =	sld [smem:$0x3F9C];
	s0 =	simm.s32 @p1 $0x1  }
0x15: {  	[smem:$0x3FB9] =	sst s0;
	s0 =	simm.s32 @!p2 $0x0  }
0x16: {  	s3 =	sld [smem:$0x3FDB];
	s0 =	simm.s32 @p2 $0x1  }
0x17: {  	s4 =	simm.s32 $0x1BF5;
	[smem:$0x3FBB] =	sst s0  }
0x18: {  	s0 =	sld [smem:$0x3F9E];
	_ =	swait.ge [sflag:s4], $0x0  }
0x19: {  	s7 =	sld [smem:$0x3F9F]  }
0x1a: {  	s8 =	sadd.s32 $0xFFFFE003, lr  }
0x1b: {  	s9 =	sadd.s32 $0xFFFFFEF7, lr;
	s5 =	simm.s32 $0xFFFFFFFF;
	p2 =	slt.u32 s8, $0xFFFFF086  }
0x1c: {  	p1 =	slt.u32 s9, $0xF7A;
	s5 =	simm.s32 @!p2 $0x0  }
0x1d: {  	s5 =	simm.s32 @p1 $0x1;
	p0 =	seq.s32 s7, s2  }
0x1e: {  	s7 =	smul.u32 @!p0 $0xF7A, s2;
	p2 =	seq.s32 @!p0 s5, $0x0  }
0x1f: {  	s9 =	smul.u32 $0xF7A, s1;
	s8 =	simm.s32 @!p0 $0x1BF5;
	p2 =	por !p2, p0  }
0x20: {  	[sflag:s8] =	ssyncset.s32 @!p0 $0xFFFFF086;
	s6 =	sadd.s32 @!p0 s3, s7;
	s7 =	simm.s32 @!p0 $0x108  }
0x21: {  	s3 =	sadd.s32 s3, s9;
	s6 =	sadd.s32 @!p0 $0x88, s6;
	s7 =	simm.s32 @p2 $0x1082  }
0x22: {  	[simem:s7], [sflag:s8] =	dma.local @!p0 [hbm:s6], $0xF7A  }
0x23: {  	s9 =	sor.u32 $0xD0000000, s2;
	s6 =	simm.s32 $0x108;
	_ =	swait.ge @!p0 [sflag:s8], $0x0  }
0x24: {  	s3 =	sadd.s32 $0x88, s3;
	s6 =	simm.s32 @!p1 $0x1082;
	[sflag:s4] =	ssyncset.s32 $0xFFFFF086  }
0x25: {  	[simem:s6], [sflag:s4] =	dma.local [hbm:s3], $0xF7A  }
0x26: {  	[smem:$0x3F9F] =	sst s1;
	(tag) =	ssettag s2;
	_ =	strace s9  }
0x27: {  	s1 =	sld [smem:$0x3FAF]  }
0x28: {  	s2 =	sld [smem:$0x3FB0]  }
0x29: {  	s4 =	sld [smem:$0x3FB2]  }
0x2a: {  	p0 =	seq.s32 s5, $0x0;
	s5 =	sld [smem:$0x3FB3]  }
0x2b: {  	s6 =	sld [smem:$0x3FB4]  }
0x2c: {  	s7 =	sld [smem:$0x3FB5]  }
0x2d: {  	s3 =	simm.s32 $0x108;
	s8 =	sld [smem:$0x3FB6]  }
0x2e: {  	s3 =	simm.s32 @!p0 $0x1082;
	s9 =	sld [smem:$0x3FB7]  }
0x2f: {  	lr =	sadd.s32 s0, s3;
	s0 =	sld [smem:$0x3FAE]  }
0x30: {  	s3 =	sld [smem:$0x3FB1]  }
0x31: {  	[smem:$0x3FBA] =	sst s10  }
0x32: {  	s10 =	sld [smem:$0x3FB8];
	_ =	sdelay $0x3  }
0x33: {  	p0 =	seq.s32 s10, $0x1;
	s10 =	sld [smem:$0x3FBA];
	_ =	sdelay $0x3  }
0x34: {  	[smem:$0x3FBA] =	sst s10  }
0x35: {  	s10 =	sld [smem:$0x3FB9];
	_ =	sdelay $0x3  }
0x36: {  	p1 =	seq.s32 s10, $0x1;
	s10 =	sld [smem:$0x3FBA];
	_ =	sdelay $0x3  }
0x37: {  	[smem:$0x3FBA] =	sst s10  }
0x38: {  	s10 =	sld [smem:$0x3FBB]  }
0x39: {  	_ = 	snop;
	(pc) =	sbr.ind lr, $3  }
0x3a: {  	_ = 	snop  }
0x3b: {  	_ = 	snop  }
0x3c: {  	p2 =	seq.s32 s10, $0x1;
	s10 =	sld [smem:$0x3FBA]  }
0x3d: {  	_ =	shalt  }
0x3e: {  	_ =	shalt  }
0x3f: {  	_ =	shalt  }
0x40: {  	_ =	shalt  }
0x41: {  	_ =	shalt  }
0x42: {  	_ =	shalt  }
0x43: {  	_ =	shalt  }
0x44: {  	_ =	shalt  }
0x45: {  	_ =	shalt  }
0x46: {  	_ =	shalt  }
0x47: {  	_ =	shalt  }
0x48: {  	_ =	shalt  }
0x49: {  	_ =	shalt  }
0x4a: {  	_ =	shalt  }
0x4b: {  	_ =	shalt  }
0x4c: {  	_ =	shalt  }
0x4d: {  	_ =	shalt  }
0x4e: {  	_ =	shalt  }
0x4f: {  	_ =	shalt  }
0x50: {  	_ =	shalt  }
0x51: {  	_ =	shalt  }
0x52: {  	_ =	shalt  }
0x53: {  	_ =	shalt  }
0x54: {  	_ =	shalt  }
0x55: {  	_ =	shalt  }
0x56: {  	_ =	shalt  }
0x57: {  	_ =	shalt  }
0x58: {  	_ =	shalt  }
0x59: {  	_ =	shalt  }
0x5a: {  	_ =	shalt  }
0x5b: {  	_ =	shalt  }
0x5c: {  	_ =	shalt  }
0x5d: {  	_ =	shalt  }
0x5e: {  	_ =	shalt  }
0x5f: {  	_ =	shalt  }
0x60: {  	_ =	shalt  }
0x61: {  	_ =	shalt  }
0x62: {  	_ =	shalt  }
0x63: {  	_ =	shalt  }
0x64: {  	_ =	shalt  }
0x65: {  	_ =	shalt  }
0x66: {  	_ =	shalt  }
0x67: {  	_ =	shalt  }
0x68: {  	_ =	shalt  }
0x69: {  	_ =	shalt  }
0x6a: {  	_ =	shalt  }
0x6b: {  	_ =	shalt  }
0x6c: {  	_ =	shalt  }
0x6d: {  	_ =	shalt  }
0x6e: {  	_ =	shalt  }
0x6f: {  	_ =	shalt  }
0x70: {  	_ =	shalt  }
0x71: {  	_ =	shalt  }
0x72: {  	_ =	shalt  }
0x73: {  	_ =	shalt  }
0x74: {  	_ =	shalt  }
0x75: {  	_ =	shalt  }
0x76: {  	_ =	shalt  }
0x77: {  	_ =	shalt  }
0x78: {  	_ =	shalt  }
0x79: {  	_ =	shalt  }
0x7a: {  	_ =	shalt  }
0x7b: {  	_ =	shalt  }
0x7c: {  	_ =	shalt  }
0x7d: {  	_ =	shalt  }
0x7e: {  	_ =	shalt  }
0x7f: {  	_ =	shalt  }
0x80: {  	_ =	shalt  }
0x81: {  	_ =	shalt  }
0x82: {  	_ =	shalt  }
0x83: {  	_ =	shalt  }
0x84: {  	_ =	shalt  }
0x85: {  	_ =	shalt  }
0x86: {  	_ =	shalt  }
0x87: {  	_ =	shalt  }
.Lfunc_end0:
.L_simem_size_0:
called_computation_lowered:
.L_overlay_start_0:
0x88: {  	s2 =	sld [smem:$0x3FD9]  }
0x89: {  	s3 =	sld [smem:$0x3FFE];
	_ =	sdelay $0x1  }
0x8a: {  	s1 =	srdreg.scid  }
0x8b: {  	s0 =	sand.u32 $0x1, s1  }
0x8c: {  	s18 =	sshll.u32 s0, $0xA;
	s2 =	sadd.s32 s3, s2  }
0x8d: {  	s2 =	sadd.s32 s2, s18  }
0x8e: {  	[smem:$0x3FC6] =	sst s2  }
0x8f: {  	_ = 	snop  }
0x90: {  	s2 =	sld [smem:$0x3FC9]  }
0x91: {  	s19 =	sld [smem:$0x3FC8]  }
0x92: {  	s4 =	sld [smem:$0x3FD0];
	(tm) =	ssettm $0x1  }
0x93: {  	s5 =	sld [smem:$0x3FFB];
	_ =	sdelay $0x3  }
0x94: {  	_ =	strace s5  }
0x95: {  	s5 =	sld [smem:$0x3FFC];
	_ =	sdelay $0x3  }
0x96: {  	_ =	strace s5  }
0x97: {  	s5 =	sld [smem:$0x3FFD];
	_ =	sdelay $0x3  }
0x98: {  	_ =	strace s5  }
0x99: {  	_ =	strace $0x8FFFFFFF  }
0x9a: {  	s20 =	sld [smem:$0x3FDB];
	_ =	sdelay $0x1  }
0x9b: {  	s6 =	simm.s32 $_scs_section_size  }
0x9c: {  	s7 =	simm.s32 $_size__tile_overlayer_lowered;
	s8 =	simm.s32 $_tile_overlayer_lowered  }
0x9d: {  	s23 =	simm.s32 $0x1BFF;
	s22 =	sshll.u32 s8, $0x1;
	s5 =	sadd.s32 s6, s20  }
0x9e: {  	s9 =	simm.s32 $0x0;
	s21 =	sshll.u32 s7, $0x1;
	s7 =	sadd.s32 s22, s5  }
0x9f: {  	[timem:s9], [sflag:s23] =	dma.local [hbm:s7], s21  }
0xa0: {  	_ =	swait.ge [sflag:s23], s21  }
0xa1: {  	s6 =	ssub.s32 $0x0, s21;
	[sflag:s23] =	ssyncset.done $0x0  }
0xa2: {  	[sflag:s23] =	ssyncadd.s32 s6;
	_ =	sdelay $0x1  }
0xa3: {  	s24 =	simm.s32 $0x1B8B  }
0xa4: {  	_ =	swait.ge [sflag:s24], $0x1  }
0xa5: {  	[sflag:s24] =	ssyncset.done $0x0  }
0xa6: {  	s25 =	simm.s32 $0x1B8E;
	[sflag:s24] =	ssyncadd.s32 $0xFFFFFFFF  }
0xa7: {  	s26 =	simm.s32 $execute0_lowered;
	[smem:$0x3FD2] =	sst s25  }
0xa8: {  	s6 =	sshll.u32 s26, $0x1;
	_ =	strace $0x80000046;
	[dreg:$0x1] =	wrdreg $0xFFFFFFFF  }
0xa9: {  	s28 =	simm.s32 $_size_execute0_lowered;
	s5 =	sadd.s32 s5, s6;
	[dreg:$0x0] =	wrdreg $0x0  }
0xaa: {  	s6 =	sshll.u32 s28, $0x1;
	[dreg:$0x2] =	wrdreg s5  }
0xab: {  	[dreg:$0x3] =	wrdreg s6  }
0xac: {  	[dreg:$0x4] =	wrdreg $0xC0  }
0xad: {  	_ =	task [dreg:s9], $0x5FFFF  }
0xae: {  	[dreg:$0x1] =	wrdreg $0xFFFFFFFF  }
0xaf: {  	[dreg:$0x0] =	wrdreg $0x60  }
0xb0: {  	[dreg:$0x2] =	wrdreg s2  }
0xb1: {  	[dreg:$0x3] =	wrdreg s19  }
0xb2: {  	[dreg:$0x4] =	wrdreg s4  }
0xb3: {  	[dreg:$0x5] =	wrdreg $0x9  }
0xb4: {  	_ =	task.clear_ibuf [dreg:s9], $0x6FFFF;
	_ =	strace $0x90000046  }
0xb5: {  	s29 =	simm.s32 $0x9;
	_ =	strace $0x80000048  }
0xb6: {  	_ =	swait.ge [sflag:s29], $0x1  }
0xb7: {  	[sflag:s29] =	ssyncadd.s32 $0xFFFFFFFF  }
0xb8: {  	_ =	strace $0x90000048  }
0xb9: {  	_ =	sfence  }
0xba: {  	s30 =	sld [smem:$0x0];
	_ =	sdelay $0x2  }
0xbb: {  	s31 =	sshll.u32 s1, $0xD;
	s1 =	sshrl.u32 s1, $0x2  }
0xbc: {  	s3 =	sand.u32 $0x4000, s31;
	s1 =	sadd.s32 s1, s30  }
0xbd: {  	s0 =	sor.u32 s3, s0;
	s1 =	sshll.u32 s1, $0x11  }
0xbe: {  	s0 =	sor.u32 s1, s0  }
0xbf: {  	s0 =	sadd.s32 $0x8F2B, s0  }
0xc0: {  	[sflag:s0] =	ssyncadd.remote.s32 $0x1  }
0xc1: {  	_ =	sfence.sel $0xFFFF  }
0xc2: {  	[dreg:$0x0] =	wrdreg $0xFFFFFFFF;
	(pc) =	sbr.abs _section_cstart, $3  }
0xc3: {  	[dreg:$0x1] =	wrdreg $0xFFFFFFFF  }
0xc4: {  	_ =	task.clear_ibuf [dreg:s9], $0x2FFFF;
	_ =	strace $0x9FFFFFFF  }
0xc5: {  	(tm) =	ssettm $0x7FFFFFFF  }
tec
execute0_lowered:
.L_overlay_start_1:
0x0: {  	(tag) =	ssettag $0x1  }
0x1: {  	s3 =	rddreg [dreg:$0x0]  }
0x2: {  	s6 =	rddreg [dreg:$0x1]  }
0x3: {  	s7 =	rddreg [dreg:$0x2]  }
0x4: {  	s0 =	rddreg [dreg:$0x3];
	s4 =	srdreg.scid  }
0x5: {  	s2 =	simm.s32 $0x0;
	s1 =	stileid.u32;
	s12 =	simm.s32 $0x4200  }
0x6: {  	s13 =	simm.s32 $0x6780;
	s14 =	simm.s32 $0x0;
	s4 =	sand.u32 $0x1, s4  }
0x7: {  	[smem:$0x7FF] =	sst s2;
	s8 =	sshrl.u32 s1, $0x1;
	s10 =	sshll.u32 s1, $0x1  }
0x8: {  	s5 =	ssub.s32 $0x2, s4;
	s11 =	smul.u32 $0x3000, s8;
	_ =	strace $0x80000047  }
0x9: {  	s26 =	sand.u32 $0x2, s10;
	s28 =	smul.u32 $0x600, s8;
	s9 =	sshrl.u32 s5, $0x1  }
0xa: {  	s8 =	sshll.u32 s8, $0x9;
	s4 =	sor.u32 s4, s26;
	s9 =	ssub.s32 s5, s9  }
0xb: {  	s29 =	sshrl.u32 s11, $0x3;
	s30 =	sshll.u32 s4, $0x7;
	s11 =	simm.s32 $0x2100  }
0xc: {  	s10 =	sadd.s32 s3, s29;
	s3 =	sadd.s32 s3, s28;
	s8 =	sor.u32 s8, s30  }
0xd: {  	s4 =	sadd.s32 $0x200, s10;
	s5 =	sadd.s32 $0x400, s10;
	s31 =	sshrl.u32 s8, $0x3  }
0xe: {  	s8 =	sshll.u32 s8, $0x2;
	s10 =	simm.s32 $0x1080;
	s6 =	sadd.s32 s6, s31  }
0xf: {  	v0 =	vlaneseq.u32;
	s7 =	sadd.s32 s7, s8;
	s8 =	smax.u32 s9, $0x1;
	s9 =	simm.s32 $0x1  }
.LBB2_1:
0x10: {  	[tilespmem:s2], [sflag:$0x1] =	stream.linear.gather [hbm4b:s3+s2], $0x1000, $0x38;
	[tilespmem:$0x7780] =	vst v63  }
0x11: {  	_ =	swait.ge [sflag:s9], $0x1000  }
0x12: {  	[sflag:s9] =	ssyncset.done $0x0  }
0x13: {  	[sflag:s9] =	ssyncadd.s32 $0xFFFFF000  }
0x14: {  	[tilespmem:s10], [sflag:$0x1] =	stream.linear.gather [hbm4b:s4+s2], $0x1000, $0x38;
	[tilespmem:$0x7780] =	vst v63  }
0x15: {  	_ =	swait.ge [sflag:s9], $0x1000  }
0x16: {  	[sflag:s9] =	ssyncset.done $0x0  }
0x17: {  	[sflag:s9] =	ssyncadd.s32 $0xFFFFF000  }
0x18: {  	[tilespmem:s11], [sflag:$0x1] =	stream.linear.gather [hbm4b:s5+s2], $0x1000, $0x38;
	[tilespmem:$0x7780] =	vst v63  }
0x19: {  	_ =	swait.ge [sflag:s9], $0x1000  }
0x1a: {  	[sflag:s9] =	ssyncset.done $0x0  }
0x1b: {  	[sflag:s9] =	ssyncadd.s32 $0xFFFFF000  }
0x1c: {  	[tilespmem:s12], [sflag:$0x1] =	stream.linear.gather [hbm4b:s6+s2], $0x80, $0x38;
	[tilespmem:$0x7780] =	vst v63  }
0x1d: {  	_ =	swait.ge [sflag:s9], $0x80  }
0x1e: {  	[sflag:s9] =	ssyncset.done $0x0  }
0x1f: {  	s17 =	simm.s32 $0x0;
	[sflag:s9] =	ssyncadd.s32 $0xFFFFFF80  }
0x20: {  	v1 =	vld [tilespmem:s17+$0x4200];
	_ =	sdelay $0x7  }
0x21: {  	v2 =	vld.idx.msk [tilespmem:v1+s2+$0x0], $0xffff  }
0x22: {  	v4 =	vld.idx.msk [tilespmem:v1+s10+$0x0], $0xffff  }
0x23: {  	v3 =	vld.idx.msk [tilespmem:v1+s11+$0x0], $0xffff;
	_ =	sdelay $0x2  }
0x24: {  	s16 =	simm.s32 $0x10;
	v5 =	vmul.f32 v2, v2;
	v6 =	vshrl.u32 v2, $0x10  }
0x25: {  	s18 =	simm.s32 $0x80;
	v1 =	vld [tilespmem:s16+$0x4200];
	v7 =	vmul.f32 v4, v4;
	v8 =	vshrl.u32 v4, $0x10;
	v6 =	vand.u32 $0x1, v6  }
.LBB2_2:
0x26: {  	p0 =	sne.s32 s18, $0x1C0;
	v9 =	vmul.f32 v3, v3;
	v8 =	vand.u32 $0x1, v8;
	v10 =	vshrl.u32 v3, $0x10;
	s19 =	smov.u32 s18;
	s18 =	sadd.s32 $0x40, s18  }
0x27: {  	v5 =	vadd.f32 v7, v5;
	v4 =	vadd.s32 v8, v4;
	v7 =	vand.u32 $0x1, v10  }
0x28: {  	v2 =	vadd.s32 v6, v2;
	v4 =	vadd.s32 $0x7FFF, v4;
	v3 =	vadd.s32 v7, v3  }
0x29: {  	v5 =	vadd.f32 v9, v5;
	v4 =	vand.u32 $0xFFFF0000, v4;
	v3 =	vadd.s32 $0x7FFF, v3  }
0x2a: {  	v2 =	vadd.s32 $0x7FFF, v2;
	v4 =	vmul.f32 $-2.000000000e+00, v4;
	v3 =	vand.u32 $0xFFFF0000, v3  }
0x2b: {  	v2 =	vand.u32 $0xFFFF0000, v2;
	[tilespmem:s17+$0x4580] =	vst v5;
	v3 =	vmul.f32 $-2.000000000e+00, v3  }
0x2c: {  	v2 =	vmul.f32 $-2.000000000e+00, v2;
	[tilespmem:s17+$0x4380] =	vst v4  }
0x2d: {  	[tilespmem:s17+$0x4480] =	vst v3  }
0x2e: {  	s15 =	simm.s32 $0x0;
	[tilespmem:s17+$0x4280] =	vst v2;
	s17 =	smov.u32 s16  }
0x2f: {  	v2 =	vld.idx.msk [tilespmem:v1+s15+$0x0], $0xffff  }
0x30: {  	v4 =	vld.idx.msk [tilespmem:v1+s10+$0x0], $0xffff  }
0x31: {  	v3 =	vld.idx.msk [tilespmem:v1+s11+$0x0], $0xffff  }
.Ltmp0:
0x32: {  	s16 =	sshra.s32 s19, $0x2;
	(pc) =	sbr.rel @p0 .LBB2_2-.Ltmp0, $3  }
0x33: {  	v1 =	vld [tilespmem:s16+$0x4200];
	_ =	sdelay $0x1  }
0x34: {  	v5 =	vmul.f32 v2, v2;
	v6 =	vshrl.u32 v2, $0x10  }
0x35: {  	v7 =	vmul.f32 v4, v4;
	v6 =	vand.u32 $0x1, v6;
	v8 =	vshrl.u32 v4, $0x10  }
0x36: {  	v9 =	vmul.f32 v3, v3;
	v8 =	vand.u32 $0x1, v8;
	v10 =	vshrl.u32 v3, $0x10  }
0x37: {  	v2 =	vadd.s32 v6, v2;
	v5 =	vadd.f32 v7, v5;
	v4 =	vadd.s32 v8, v4  }
0x38: {  	v56 =	vand.u32 $0x1, v10;
	v2 =	vadd.s32 $0x7FFF, v2;
	v4 =	vadd.s32 $0x7FFF, v4  }
0x39: {  	v3 =	vadd.s32 v56, v3;
	v2 =	vand.u32 $0xFFFF0000, v2;
	v5 =	vadd.f32 v9, v5  }
0x3a: {  	v4 =	vand.u32 $0xFFFF0000, v4;
	v3 =	vadd.s32 $0x7FFF, v3;
	v2 =	vmul.f32 $-2.000000000e+00, v2  }
0x3b: {  	v4 =	vmul.f32 $-2.000000000e+00, v4;
	v3 =	vand.u32 $0xFFFF0000, v3;
	[tilespmem:s17+$0x4580] =	vst v5  }
0x3c: {  	v3 =	vmul.f32 $-2.000000000e+00, v3;
	[tilespmem:s17+$0x4280] =	vst v2  }
0x3d: {  	[tilespmem:s17+$0x4380] =	vst v4  }
0x3e: {  	[tilespmem:s17+$0x4480] =	vst v3  }
0x3f: {  	v2 =	vld.idx.msk [tilespmem:v1+s15+$0x0], $0xffff  }
0x40: {  	v3 =	vld.idx.msk [tilespmem:v1+s10+$0x0], $0xffff  }
0x41: {  	v1 =	vld.idx.msk [tilespmem:v1+s11+$0x0], $0xffff;
	_ =	sdelay $0x3  }
0x42: {  	v57 =	vmul.f32 v2, v2;
	v58 =	vshrl.u32 v2, $0x10  }
0x43: {  	v59 =	vmul.f32 v3, v3;
	v60 =	vshrl.u32 v3, $0x10;
	v61 =	vmul.f32 v1, v1  }
0x44: {  	v62 =	vshrl.u32 v1, $0x10;
	v5 =	vand.u32 $0x1, v58;
	v7 =	vand.u32 $0x1, v60  }
0x45: {  	v63 =	vand.u32 $0x1, v62;
	v4 =	vadd.f32 v59, v57;
	v3 =	vadd.s32 v7, v3  }
0x46: {  	v2 =	vadd.s32 v5, v2;
	v1 =	vadd.s32 v63, v1;
	v3 =	vadd.s32 $0x7FFF, v3  }
0x47: {  	v1 =	vadd.s32 $0x7FFF, v1;
	v4 =	vadd.f32 v61, v4;
	v3 =	vand.u32 $0xFFFF0000, v3  }
0x48: {  	p1 =	por $0x1, $0x1;
	v2 =	vadd.s32 $0x7FFF, v2;
	v1 =	vand.u32 $0xFFFF0000, v1;
	v3 =	vmul.f32 $-2.000000000e+00, v3  }
.Ltmp1:
0x49: {  	v2 =	vand.u32 $0xFFFF0000, v2;
	v1 =	vmul.f32 $-2.000000000e+00, v1;
	[tilespmem:s16+$0x4580] =	vst v4;
	(pc) =	sbr.rel @!p1 .LBB2_4-.Ltmp1, $4  }
0x4a: {  	v2 =	vmul.f32 $-2.000000000e+00, v2;
	[tilespmem:s16+$0x4380] =	vst v3  }
0x4b: {  	[tilespmem:s16+$0x4480] =	vst v1  }
0x4c: {  	[tilespmem:s16+$0x4280] =	vst v2;
	s16 =	simm.s32 $0x0  }
0x4d: {  	p0 =	por $0x0, $0x0;
	v1 =	vld [tilespmem:s16+$0x0]  }
0x4e: {  	_ = 	snop  }
0x4f: {  	v2 =	vld [tilespmem:s16+$0x1080]  }
0x50: {  	v3 =	vld [tilespmem:s16+$0x2100];
	_ =	sdelay $0x1  }
0x51: {  	v4 =	vshrl.u32 v1, $0x10  }
0x52: {  	v4 =	vand.u32 $0x1, v4  }
0x53: {  	p1 =	por $0x1, $0x1;
	v5 =	vmul.f32 v1, v1;
	v6 =	vshrl.u32 v2, $0x10;
	v1 =	vadd.s32 v4, v1  }
.Ltmp2:
0x54: {  	v4 =	vand.u32 $0x1, v6;
	v6 =	vshrl.u32 v3, $0x10;
	v1 =	vadd.s32 $0x7FFF, v1;
	(pc) =	sbr.rel @!p1 .LBB2_7-.Ltmp2, $4  }
0x55: {  	v4 =	vadd.s32 v4, v2;
	v6 =	vand.u32 $0x1, v6;
	v2 =	vmul.f32 v2, v2  }
0x56: {  	v1 =	vand.u32 $0xFFFF0000, v1;
	v4 =	vadd.s32 $0x7FFF, v4;
	v6 =	vadd.s32 v6, v3  }
0x57: {  	s17 =	simm.s32 $0x10;
	[tilespmem:s16+$0x0] =	vst v1;
	v4 =	vand.u32 $0xFFFF0000, v4;
	v6 =	vadd.s32 $0x7FFF, v6  }
0x58: {  	s18 =	simm.s32 $0x80;
	p0 =	por $0x1, $0x1;
	v3 =	vmul.f32 v3, v3;
	v2 =	vadd.f32 v2, v5;
	v1 =	vld [tilespmem:s17+$0x0];
	[tilespmem:s16+$0x1080] =	vst v4;
	v4 =	vand.u32 $0xFFFF0000, v6  }
.LBB2_6:
0x59: {  	p1 =	sne.s32 s18, $0x3FC0;
	v5 =	vld [tilespmem:s17+$0x1080];
	[tilespmem:s16+$0x2100] =	vst v4  }
0x5a: {  	v4 =	vld [tilespmem:s17+$0x2100];
	v2 =	vadd.f32 v3, v2;
	_ =	sdelay $0x1  }
0x5b: {  	[tilespmem:s16+$0x3180] =	vst v2;
	s16 =	smov.u32 s17  }
0x5c: {  	v2 =	vmul.f32 v1, v1;
	v3 =	vshrl.u32 v1, $0x10  }
0x5d: {  	v6 =	vmul.f32 v5, v5;
	v3 =	vand.u32 $0x1, v3;
	v7 =	vshrl.u32 v5, $0x10  }
.Ltmp3:
0x5e: {  	v1 =	vadd.s32 v3, v1;
	v3 =	vand.u32 $0x1, v7;
	v7 =	vshrl.u32 v4, $0x10;
	(pc) =	sbr.rel @p1 .LBB2_6-.Ltmp3, $4  }
0x5f: {  	v1 =	vadd.s32 $0x7FFF, v1;
	v3 =	vadd.s32 v3, v5;
	v5 =	vand.u32 $0x1, v7  }
0x60: {  	v1 =	vand.u32 $0xFFFF0000, v1;
	v3 =	vadd.s32 $0x7FFF, v3;
	v5 =	vadd.s32 v5, v4  }
0x61: {  	s17 =	sshra.s32 s18, $0x2;
	v2 =	vadd.f32 v6, v2;
	[tilespmem:s16+$0x0] =	vst v1;
	v6 =	vand.u32 $0xFFFF0000, v3;
	v5 =	vadd.s32 $0x7FFF, v5  }
0x62: {  	s18 =	sadd.s32 $0x40, s18;
	v3 =	vmul.f32 v4, v4;
	v1 =	vld [tilespmem:s17+$0x0];
	[tilespmem:s16+$0x1080] =	vst v6;
	v4 =	vand.u32 $0xFFFF0000, v5  }
.LBB2_7:
0x63: {  	v5 =	vld [tilespmem:s17+$0x1080]  }
0x64: {  	[tilespmem:s16+$0x2100] =	vst @p0 v4  }
0x65: {  	v4 =	vld [tilespmem:s17+$0x2100];
	_ =	sdelay $0x1  }
0x66: {  	v2 =	vadd.f32 @p0 v3, v2;
	v3 =	vshrl.u32 v1, $0x10  }
0x67: {  	v6 =	vmul.f32 v1, v1;
	v3 =	vand.u32 $0x1, v3;
	v7 =	vshrl.u32 v5, $0x10  }
0x68: {  	v1 =	vadd.s32 v3, v1;
	v3 =	vmul.f32 v5, v5;
	v7 =	vand.u32 $0x1, v7  }
0x69: {  	v63 =	vshrl.u32 v4, $0x10;
	v5 =	vadd.s32 v7, v5;
	v1 =	vadd.s32 $0x7FFF, v1  }
0x6a: {  	v7 =	vand.u32 $0x1, v63;
	v1 =	vand.u32 $0xFFFF0000, v1;
	v5 =	vadd.s32 $0x7FFF, v5  }
0x6b: {  	[tilespmem:s16+$0x3180] =	vst @p0 v2;
	v2 =	vadd.s32 v7, v4;
	v3 =	vadd.f32 v3, v6;
	v4 =	vmul.f32 v4, v4  }
0x6c: {  	[tilespmem:s17+$0x0] =	vst v1;
	v1 =	vand.u32 $0xFFFF0000, v5;
	v2 =	vadd.s32 $0x7FFF, v2  }
0x6d: {  	[tilespmem:s17+$0x1080] =	vst v1;
	v1 =	vand.u32 $0xFFFF0000, v2;
	v2 =	vadd.f32 v4, v3  }
0x6e: {  	[tilespmem:s17+$0x2100] =	vst v1  }
0x6f: {  	[tilespmem:s17+$0x3180] =	vst v2  }
.LBB2_8:
0x70: {  	v14 =	vld [tilespmem:$0x0]  }
0x71: {  	v17 =	vld [tilespmem:$0x1080]  }
0x72: {  	v29 =	vld [tilespmem:$0x2100]  }
0x73: {  	v23 =	vld [tilespmem:$0x3180]  }
0x74: {  	v28 =	vld [tilespmem:$0x10]  }
0x75: {  	v27 =	vld [tilespmem:$0x1090]  }
0x76: {  	v26 =	vld [tilespmem:$0x2110]  }
0x77: {  	v19 =	vld [tilespmem:$0x3190]  }
0x78: {  	v21 =	vld [tilespmem:$0x20]  }
0x79: {  	v20 =	vld [tilespmem:$0x10A0]  }
0x7a: {  	v16 =	vld [tilespmem:$0x2120]  }
0x7b: {  	v9 =	vld [tilespmem:$0x31A0]  }
0x7c: {  	v13 =	vld [tilespmem:$0x30]  }
0x7d: {  	v12 =	vld [tilespmem:$0x10B0]  }
0x7e: {  	v11 =	vld [tilespmem:$0x2130]  }
0x7f: {  	v7 =	vld [tilespmem:$0x31B0]  }
0x80: {  	v1 =	vld.msk [tilespmem:s15+$0x4280 ss:$0x0], $0xffff  }
0x81: {  	v2 =	vld.msk [tilespmem:s15+$0x4380 ss:$0x0], $0xffff  }
0x82: {  	v3 =	vld.msk [tilespmem:s15+$0x4480 ss:$0x0], $0xffff  }
0x83: {  	v5 =	vld.msk [tilespmem:s15+$0x42C0 ss:$0x0], $0xffff  }
0x84: {  	v6 =	vld.msk [tilespmem:s15+$0x43C0 ss:$0x0], $0xffff  }
0x85: {  	v4 =	vld.msk [tilespmem:s15+$0x4580 ss:$0x0], $0xffff;
	s16 =	sor.u32 $0x40, s15;
	s24 =	simm.s32 $0x0;
	v22 =	vimm.f32 $+Inf;
	s17 =	simm.s32 $0xFFFFFFC0;
	v31 =	vimm.f32 $+Inf  }
0x86: {  	v8 =	vld.msk [tilespmem:s15+$0x44C0 ss:$0x0], $0xffff;
	s19 =	simm.s32 $0x70;
	s20 =	simm.s32 $0x10F0;
	s21 =	simm.s32 $0x2170;
	v30 =	vimm.f32 $+Inf;
	v32 =	vimm.f32 $+Inf;
	v18 =	vimm.f32 $+Inf  }
0x87: {  	v10 =	vld.msk [tilespmem:s15+$0x45C0 ss:$0x0], $0xffff;
	s22 =	simm.s32 $0x31F0;
	v25 =	vimm.f32 $+Inf;
	v15 =	vimm.f32 $+Inf;
	v24 =	vimm.f32 $+Inf;
	s18 =	simm.s32 $0x0;
	s23 =	simm.s32 $0x0  }
.LBB2_9:
0x88: {  	v33 =	vmul.f32 v14, v1;
	v34 =	vmul.f32 v17, v2  }
0x89: {  	v14 =	vmul.f32 v14, v5;
	v17 =	vmul.f32 v17, v6;
	vm7 =	vle.f32 v24, $3.999999910e-02  }
0x8a: {  	vm6 =	vle.f32 v25, $3.999999910e-02;
	v25 =	vmpcnt.ones.xlane vm7  }
0x8b: {  	vm5 =	vle.f32 v32, $3.999999910e-02;
	v60 =	vadd.f32 v17, v14;
	v14 =	vmpcnt.ones.xlane vm6  }
0x8c: {  	vm4 =	vle.f32 v31, $3.999999910e-02;
	v17 =	vmpcnt.ones.xlane vm5;
	(v2sf) =	vpush v25, $0x0  }
0x8d: {  	vm3 =	vle.f32 v15, $3.999999910e-02;
	v15 =	vmpcnt.ones.xlane vm4;
	(v2sf) =	vpush v14, $0x0  }
0x8e: {  	vm2 =	vle.f32 v18, $3.999999910e-02;
	v18 =	vmpcnt.ones.xlane vm3;
	(v2sf) =	vpush v17, $0x0  }
0x8f: {  	vm0 =	vle.f32 v30, $3.999999910e-02;
	(v2sf) =	vpush v15, $0x0;
	v15 =	vmpcnt.ones.xlane vm2  }
0x90: {  	v61 =	vld [tilespmem:s21+$0xFFFFFFD0];
	vm1 =	vle.f32 v22, $3.999999910e-02;
	(v2sf) =	vpush v18, $0x0;
	v18 =	vmpcnt.ones.xlane vm0  }
0x91: {  	v35 =	vld [tilespmem:s22+$0xFFFFFFD0];
	(v2sf) =	vpush v15, $0x0;
	v15 =	vmpcnt.ones.xlane vm1  }
0x92: {  	v59 =	vmul.f32 v29, v3;
	v36 =	vld [tilespmem:s20+$0xFFFFFFE0];
	(v2sf) =	vpush v18, $0x0  }
0x93: {  	v62 =	vld [tilespmem:s22+$0xFFFFFFE0];
	v22 =	vmul.f32 v29, v8;
	v33 =	vadd.f32 v34, v33;
	(v2sf) =	vpush v15, $0x0  }
0x94: {  	v37 =	vld [tilespmem:s20+$0xFFFFFFF0];
	v30 =	vmul.f32 v27, v2;
	v25 =	vmul.f32 v28, v1  }
0x95: {  	v38 =	vld [tilespmem:s19+$0x0];
	v27 =	vmul.f32 v27, v6;
	v24 =	vadd.f32 v59, v33;
	v18 =	vmul.f32 v28, v5  }
0x96: {  	v39 =	vld [tilespmem:s20+$0x0];
	v15 =	vadd.f32 v22, v60;
	v22 =	vadd.f32 v30, v25  }
0x97: {  	v40 =	vld [tilespmem:s21+$0x0];
	v25 =	vmul.f32 v26, v3;
	v26 =	vmul.f32 v26, v8;
	v18 =	vadd.f32 v27, v18  }
0x98: {  	v29 =	vld [tilespmem:s19+$0xFFFFFFE0];
	v31 =	vmul.f32 v20, v2;
	v24 =	vadd.f32 v24, v4  }
0x99: {  	v20 =	vmul.f32 v20, v6;
	v14 =	vld [tilespmem:s19+$0xFFFFFFD0];
	v22 =	vadd.f32 v25, v22;
	v18 =	vadd.f32 v26, v18  }
0x9a: {  	v17 =	vld [tilespmem:s20+$0xFFFFFFD0];
	v24 =	vadd.f32 v24, v23;
	v30 =	vmul.f32 v21, v1;
	v21 =	vmul.f32 v21, v5  }
0x9b: {  	v63 =	vor.u32 s17, v0;
	s29 =	sadd.s32 $0x10, s17;
	v28 =	vld [tilespmem:s21+$0xFFFFFFE0];
	v22 =	vadd.f32 v22, v4;
	v18 =	vadd.f32 v18, v10;
	s25 =	spop (v2sf)  }
0x9c: {  	v41 =	vor.u32 s29, v0;
	s29 =	sadd.s32 $0x20, s17;
	v27 =	vld [tilespmem:s19+$0xFFFFFFF0];
	v15 =	vadd.f32 v15, v10;
	v20 =	vadd.f32 v20, v21;
	s26 =	spop (v2sf)  }
0x9d: {  	v42 =	vor.u32 s29, v0;
	v21 =	vld [tilespmem:s22+$0x0];
	v25 =	vadd.f32 v22, v19;
	v18 =	vadd.f32 v18, v19;
	s28 =	spop (v2sf)  }
0x9e: {  	v26 =	vld [tilespmem:s21+$0xFFFFFFF0];
	v19 =	vadd.f32 v31, v30;
	v30 =	vmul.f32 v13, v1;
	v31 =	vmul.f32 v12, v2;
	s30 =	spop (v2sf)  }
0x9f: {  	s29 =	sadd.s32 $0x30, s17;
	v15 =	vadd.f32 v15, v23;
	v23 =	vld [tilespmem:s22+$0xFFFFFFF0];
	[tilespmem:s23+$0x4680] =	vst.msk vm7, v63;
	v13 =	vmul.f32 v13, v5;
	v12 =	vmul.f32 v12, v6;
	s31 =	sadd.s32 s23, s25;
	s25 =	spop (v2sf)  }
0xa0: {  	v22 =	vmul.f32 v16, v3;
	v16 =	vmul.f32 v16, v8;
	[tilespmem:s31+$0x4680] =	vst.msk vm6, v41;
	s23 =	sadd.s32 s26, s31;
	s31 =	spop (v2sf);
	s25 =	sadd.s32 s18, s25  }
0xa1: {  	v12 =	vadd.f32 v12, v13;
	v13 =	vor.u32 s29, v0;
	[tilespmem:s23+$0x4680] =	vst.msk vm5, v42;
	s23 =	sadd.s32 s28, s23;
	s28 =	spop (v2sf);
	s26 =	sadd.s32 s31, s25  }
0xa2: {  	v16 =	vadd.f32 v16, v20;
	[tilespmem:s23+$0x4680] =	vst.msk vm4, v13;
	s31 =	spop (v2sf);
	s28 =	sadd.s32 s28, s26  }
0xa3: {  	v30 =	vadd.f32 v31, v30;
	v31 =	vmul.f32 v11, v3;
	v11 =	vmul.f32 v11, v8;
	s23 =	sadd.s32 s30, s23;
	[tilespmem:s18+$0x5700] =	vst.msk vm3, v63;
	s18 =	sadd.s32 s31, s28  }
0xa4: {  	v19 =	vadd.f32 v22, v19;
	v16 =	vadd.f32 v16, v10;
	p0 =	slt.s32 s23, $0x20;
	p1 =	slt.s32 s18, $0x20  }
0xa5: {  	p6 =	sgt.u32 s24, $0xFB;
	v20 =	vadd.f32 v31, v30;
	v11 =	vadd.f32 v11, v12;
	p0 =	por p0, p1  }
0xa6: {  	v12 =	vadd.f32 v19, v4;
	p0 =	por p6, !p0  }
.Ltmp4:
0xa7: {  	v19 =	vadd.f32 v20, v4;
	v11 =	vadd.f32 v11, v10;
	(pc) =	sbr.rel @!p0 .LBB2_9-.Ltmp4, $4  }
0xa8: {  	v30 =	vadd.f32 v16, v9;
	v32 =	vadd.f32 v12, v9;
	v9 =	vmov v23  }
0xa9: {  	s17 =	sadd.s32 $0x40, s17;
	v23 =	vmovc v35;
	[tilespmem:s25+$0x5700] =	vst.msk vm2, v41;
	v16 =	vmovc v26;
	v26 =	vmov v28;
	v28 =	vmov v29;
	v31 =	vadd.f32 v19, v7  }
0xaa: {  	s20 =	sadd.s32 $0x40, s20;
	s19 =	sadd.s32 $0x40, s19;
	v29 =	vmovc v61;
	v22 =	vadd.f32 v11, v7;
	[tilespmem:s26+$0x5700] =	vst.msk vm0, v42;
	v7 =	vmovc v21;
	v12 =	vmov v39;
	v20 =	vmov v37;
	s31 =	sadd.s32 $0x4, s24  }
0xab: {  	s21 =	sadd.s32 $0x40, s21;
	s22 =	sadd.s32 $0x40, s22;
	v21 =	vmovc v27;
	v27 =	vmovc v36;
	[tilespmem:s28+$0x5700] =	vst.msk vm1, v13;
	v13 =	vmov v38;
	v11 =	vmov v40;
	v19 =	vmov v62;
	s24 =	smov.u32 s31  }
0xac: {  	vm5 =	vle.f32 v24, $3.999999910e-02  }
0xad: {  	vm6 =	vle.f32 v25, $3.999999910e-02;
	v1 =	vmpcnt.ones.xlane vm5  }
0xae: {  	vm4 =	vle.f32 v32, $3.999999910e-02;
	v2 =	vmpcnt.ones.xlane vm6  }
0xaf: {  	vm0 =	vle.f32 v31, $3.999999910e-02;
	(v2sf) =	vpush v1, $0x0;
	v1 =	vmpcnt.ones.xlane vm4  }
0xb0: {  	vm1 =	vle.f32 v15, $3.999999910e-02;
	(v2sf) =	vpush v2, $0x0;
	v2 =	vmpcnt.ones.xlane vm0  }
0xb1: {  	vm2 =	vle.f32 v18, $3.999999910e-02;
	(v2sf) =	vpush v1, $0x0;
	v1 =	vmpcnt.ones.xlane vm1  }
0xb2: {  	vm3 =	vle.f32 v30, $3.999999910e-02;
	(v2sf) =	vpush v2, $0x0;
	v2 =	vmpcnt.ones.xlane vm2  }
0xb3: {  	(v2sf) =	vpush v1, $0x0;
	v1 =	vmpcnt.ones.xlane vm3  }
0xb4: {  	(v2sf) =	vpush v2, $0x0  }
0xb5: {  	(v2sf) =	vpush v1, $0x0;
	_ =	sdelay $0x8  }
0xb6: {  	s20 =	sadd.s32 $0x10, s17;
	v1 =	vor.u32 s17, v0;
	s19 =	spop (v2sf)  }
0xb7: {  	s31 =	sadd.s32 $0x20, s17;
	v2 =	vor.u32 s20, v0;
	[tilespmem:s23+$0x4680] =	vst.msk vm5, v1;
	s21 =	spop (v2sf);
	s19 =	sadd.s32 s23, s19  }
0xb8: {  	v3 =	vor.u32 s31, v0;
	s20 =	sadd.s32 $0x30, s17;
	s22 =	spop (v2sf);
	[tilespmem:s19+$0x4680] =	vst.msk vm6, v2;
	s19 =	sadd.s32 s21, s19  }
0xb9: {  	v4 =	vor.u32 s20, v0;
	s23 =	spop (v2sf);
	[tilespmem:s19+$0x4680] =	vst.msk vm4, v3;
	s24 =	sadd.s32 s22, s19  }
0xba: {  	vm11 =	vle.f32 v22, $3.999999910e-02;
	s25 =	spop (v2sf);
	[tilespmem:s24+$0x4680] =	vst.msk vm0, v4  }
0xbb: {  	v5 =	vmpcnt.ones.xlane vm11;
	s26 =	spop (v2sf);
	[tilespmem:s18+$0x5700] =	vst.msk vm1, v1;
	s28 =	sadd.s32 s18, s25  }
0xbc: {  	s29 =	spop (v2sf);
	[tilespmem:s28+$0x5700] =	vst.msk vm2, v2;
	s18 =	sadd.s32 s26, s28  }
0xbd: {  	(v2sf) =	vpush v5, $0x0;
	[tilespmem:s18+$0x5700] =	vst.msk vm3, v3;
	s18 =	sadd.s32 s29, s18  }
0xbe: {  	[tilespmem:s18+$0x5700] =	vst.msk vm11, v4  }
0xbf: {  	v1 =	vld [tilespmem:$0x4680];
	_ =	sdelay $0x2  }
0xc0: {  	v2 =	vld [tilespmem:$0x4690]  }
0xc1: {  	s17 =	sadd.s32 s23, s24  }
0xc2: {  	v3 =	vmov s17;
	v61 =	vbroadcast v1, $0x0  }
0xc3: {  	s30 =	sshll.u32 s15, $0x5;
	v62 =	vor.u32 $0x10, v0;
	vm12 =	vgt.s32 v3, v0  }
0xc4: {  	s17 =	sand.u32 $0x3FFFFFE0, s30;
	vm13 =	vgt.s32 v3, v62;
	v1 =	vsel vm12, v1, v61  }
0xc5: {  	[tilespmem:s17+$0x6780] =	vst v1;
	v1 =	vsel vm13, v2, v61  }
0xc6: {  	[tilespmem:s17+$0x6790] =	vst v1  }
0xc7: {  	v1 =	vld [tilespmem:$0x5700];
	_ =	sdelay $0x2  }
0xc8: {  	s15 =	sadd.s32 $0x1, s15;
	s31 =	spop (v2sf);
	v2 =	vld [tilespmem:$0x5710]  }
0xc9: {  	p0 =	sne.s32 s15, $0x40;
	s17 =	sadd.s32 s31, s18  }
.Ltmp5:
0xca: {  	v3 =	vmov s17;
	v63 =	vbroadcast v1, $0x0;
	(pc) =	sbr.rel @p0 .LBB2_8-.Ltmp5, $4  }
0xcb: {  	s16 =	sshll.u32 s16, $0x5;
	vm14 =	vgt.s32 v3, v0  }
0xcc: {  	s16 =	sand.u32 $0x3FFFFFE0, s16;
	vm15 =	vgt.s32 v3, v62;
	v1 =	vsel vm14, v1, v63  }
0xcd: {  	[tilespmem:s16+$0x6780] =	vst v1;
	v1 =	vsel vm15, v2, v63  }
0xce: {  	[tilespmem:s16+$0x6790] =	vst v1  }
0xcf: {  	[hbm4b:s7+s2] =	stream.linear.scatter [tilespmem:s13], [sflag:$0x1], $0x1000, $0x38;
	[tilespmem:$0x7780] =	vst v63  }
0xd0: {  	s14 =	sadd.s32 $0x1, s14  }
0xd1: {  	p0 =	sne.s32 s14, s8  }
.Ltmp6:
0xd2: {  	_ = 	snop;
	(pc) =	sbr.rel @p0 .LBB2_1-.Ltmp6, $4  }
.Ltmp7:
0xd3: {  	_ = 	snop;
	(pc) =	sbr.rel @!p0 .LBB2_12-.Ltmp7, $4  }
0xd4: {  	_ =	swait.ge [sflag:s9], $0x1000  }
0xd5: {  	[sflag:s9] =	ssyncset.done $0x0  }
0xd6: {  	[sflag:s9] =	ssyncadd.s32 $0xFFFFF000  }
0xd7: {  	_ = 	snop  }
.LBB2_4:
.Ltmp8:
0xd8: {  	(pc) =	sbr.rel .LBB2_7-.Ltmp8, $2  }
0xd9: {  	_ =	sdelay $0x2  }
0xda: {  	s17 =	simm.s32 $0x0  }
.LBB2_12:
0xdb: {  	_ =	sfence.sel $0x180000  }
0xdc: {  	[bflag:$0x0] =	sbarrier.arrive $0xFFFF  }
0xdd: {  	p0 =	sne.s32 s1, $0x0;
	_ =	strace $0x90000047  }
0xde: {  	s0 =	sadd.s32 @!p0 $0x100000, s0;
	[bflag:$0x2] =	sbarrier.arrive $0xFFFF  }
0xdf: {  	[sflag:s0] =	ssyncadd.tile.s32 @!p0 $0x1;
	_ =	shalt  }
.Lfunc_end2:
_tile_overlayer_lowered:
.L_overlay_start_2:
0xe0: {  	(tag) =	ssettag $0x2  }
0xe1: {  	s0 =	rddreg [dreg:$0x0];
	s2 =	stileid.u32  }
0xe2: {  	s1 =	rddreg [dreg:$0x1];
	p0 =	sne.s32 s2, $0x0  }
0xe3: {  	s3 =	rddreg [dreg:$0x2];
	[bflag:$0x3] =	sbarrier.arrive $0xFFFF;
	s2 =	simm.s32 @!p0 $0x1C01  }
0xe4: {  	[timem:s3], [sflag:s2] =	dma.local @!p0 [hbm:s0], s1  }
0xe5: {  	s0 =	simm.s32 @!p0 $0x1  }
0xe6: {  	_ =	swait.ge @!p0 [sflag:s0], s1  }
0xe7: {  	s1 =	ssub.s32 @!p0 $0x0, s1;
	[sflag:s0] =	ssyncset.done @!p0 $0x0  }
0xe8: {  	[sflag:s0] =	ssyncadd.s32 @!p0 s1  }
0xe9: {  	[bflag:$0x3] =	sbarrier.arrive $0xFFFF  }
0xea: {  	_ =	shalt  }

</sc_bundles>
